<compile_context>
chip_gen: v7x
topology: tpu7x:2x2x1
jax: 0.10.2.dev20260603
libtpu: 0.0.44.dev20260713+nightly
codegen_flags: <defaults>
</compile_context>

<pallas_src>
import functools

import jax
import jax.numpy as jnp
from jax import lax
from jax.experimental import pallas as pl
from jax.experimental.pallas import tpu as pltpu
from jax.experimental.pallas import tpu_sc as plsc

N = 10000
E = 320000
F = 128
H = 128
BN_EPS = 1e-5

EC = 128
NW = 32
NBUF = 3
ROWS = E // EC
BASE_ROWS = ROWS // NW
EXTRA = ROWS - BASE_ROWS * NW
NSUB = 16
NPAD = 10112
RPS = NPAD // NSUB
LAST_VALID = N - 15 * RPS


def _make_sc_kernel():
    mesh = plsc.VectorSubcoreMesh(core_axis_name="c", subcore_axis_name="s")

    @functools.partial(
        pl.kernel,
        out_type=(
            jax.ShapeDtypeStruct((N, F), jnp.float32),
            jax.ShapeDtypeStruct((N, F), jnp.float32),
        ),
        mesh=mesh,
        scratch_types=[
            *[pltpu.VMEM((EC,), jnp.int32) for _ in range(NBUF)],
            *[pltpu.VMEM((EC,), jnp.int32) for _ in range(NBUF)],
            *[pltpu.VMEM((EC, F), jnp.float32) for _ in range(NBUF)],
            pltpu.VMEM_SHARED((NPAD, F), jnp.float32),
            *[pltpu.SemaphoreType.DMA for _ in range(2 * NBUF)],
        ],
    )
    def sc_aggr(src_hbm, dst_hbm, x_hbm, out0, out1, *rest):
        sidx = rest[:NBUF]
        didx = rest[NBUF:2 * NBUF]
        rows = rest[2 * NBUF:3 * NBUF]
        aggr = rest[3 * NBUF]
        isem = rest[3 * NBUF + 1:3 * NBUF + 1 + NBUF]
        gsem = rest[3 * NBUF + 1 + NBUF:]
        c = lax.axis_index("c")
        s = lax.axis_index("s")
        w = c * NSUB + s

        def zrow(i, carry):
            for j in range(F // 16):
                rows[0][i, pl.ds(j * 16, 16)] = jnp.zeros((16,), jnp.float32)
            return carry

        lax.fori_loop(0, EC, zrow, 0)
        TAIL = RPS - (RPS // EC) * EC

        @pl.when(c == 1)
        def _():
            for k in range(RPS // EC):
                pltpu.sync_copy(rows[0], aggr.at[pl.ds(s * RPS + k * EC, EC)])
            pltpu.sync_copy(
                rows[0].at[pl.ds(0, TAIL)],
                aggr.at[pl.ds(s * RPS + (RPS // EC) * EC, TAIL)],
            )

        @pl.when((c == 0) & (s < NSUB - 1))
        def _():
            for k in range(RPS // EC):
                pltpu.sync_copy(
                    x_hbm.at[pl.ds(s * RPS + k * EC, EC)],
                    aggr.at[pl.ds(s * RPS + k * EC, EC)],
                )
            pltpu.sync_copy(
                x_hbm.at[pl.ds(s * RPS + (RPS // EC) * EC, TAIL)],
                aggr.at[pl.ds(s * RPS + (RPS // EC) * EC, TAIL)],
            )

        @pl.when((c == 0) & (s == NSUB - 1))
        def _():
            base15 = (NSUB - 1) * RPS
            for k in range(RPS // EC):
                pltpu.sync_copy(
                    x_hbm.at[pl.ds(base15 + k * EC, EC)],
                    aggr.at[pl.ds(base15 + k * EC, EC)],
                )
            pltpu.sync_copy(
                x_hbm.at[pl.ds(base15 + (RPS // EC) * EC, LAST_VALID - (RPS // EC) * EC)],
                aggr.at[pl.ds(base15 + (RPS // EC) * EC, LAST_VALID - (RPS // EC) * EC)],
            )
            pltpu.sync_copy(
                rows[0].at[pl.ds(0, NPAD - N)],
                aggr.at[pl.ds(N, NPAD - N)],
            )

        plsc.subcore_barrier()

        base = w * BASE_ROWS + jnp.minimum(w, EXTRA)
        cnt = BASE_ROWS + jnp.where(w < EXTRA, 1, 0)

        def load_idx(chunk, b):
            off = (base + chunk) * EC
            pltpu.async_copy(src_hbm.at[pl.ds(off, EC)], sidx[b], isem[b])
            pltpu.async_copy(dst_hbm.at[pl.ds(off, EC)], didx[b], isem[b])

        def wait_idx(b):
            pltpu.make_async_copy(src_hbm.at[pl.ds(0, EC)], sidx[b], isem[b]).wait()
            pltpu.make_async_copy(dst_hbm.at[pl.ds(0, EC)], didx[b], isem[b]).wait()

        def gather(b):
            pltpu.async_copy(x_hbm.at[sidx[b]], rows[b], gsem[b])

        def wait_gather(b):
            pltpu.make_async_copy(x_hbm.at[sidx[b]], rows[b], gsem[b]).wait()

        for b in range(NBUF):
            load_idx(b, b)
        for b in range(NBUF - 1):
            wait_idx(b)
            gather(b)

        def body(g, carry):
            for b in range(NBUF):
                cur = NBUF * g + b
                b2 = (b + NBUF - 1) % NBUF

                @pl.when(cur + NBUF - 1 < cnt)
                def _():
                    wait_idx(b2)
                    gather(b2)

                wait_gather(b)
                pltpu.sync_copy(rows[b], aggr.at[didx[b]], add=True)

                @pl.when(cur + NBUF < cnt)
                def _():
                    load_idx(cur + NBUF, b)

            return carry

        lax.fori_loop(0, BASE_ROWS // NBUF, body, 0)
        tb = BASE_ROWS % NBUF

        @pl.when(cnt > BASE_ROWS)
        def _():
            wait_gather(tb)
            pltpu.sync_copy(rows[tb], aggr.at[didx[tb]], add=True)

        plsc.subcore_barrier()

        out = [out0, out1]
        for ci in range(2):
            @pl.when(c == ci)
            def _(ci=ci):
                @pl.when(s < NSUB - 1)
                def _():
                    pltpu.sync_copy(
                        aggr.at[pl.ds(s * RPS, RPS)],
                        out[ci].at[pl.ds(s * RPS, RPS)],
                    )

                @pl.when(s == NSUB - 1)
                def _():
                    pltpu.sync_copy(
                        aggr.at[pl.ds((NSUB - 1) * RPS, LAST_VALID)],
                        out[ci].at[pl.ds((NSUB - 1) * RPS, LAST_VALID)],
                    )

    return sc_aggr


_sc_aggr = _make_sc_kernel()

BLKR = 2000
NB = N // BLKR


BLKE = 32000


def _split_body(ei_ref, s_ref, d_ref):
    s_ref[...] = ei_ref[0, :]
    d_ref[...] = ei_ref[1, :]


def _split(edge_index):
    return pl.pallas_call(
        _split_body,
        out_shape=[
            jax.ShapeDtypeStruct((E,), jnp.int32),
            jax.ShapeDtypeStruct((E,), jnp.int32),
        ],
    )(edge_index)


def _tc_body(p0_ref, p1_ref, w1_ref, w2_ref, prm_ref, out_ref, h1s, stat):
    p = pl.program_id(0)
    b = pl.program_id(1)

    @pl.when(p == 0)
    def _():
        a = p0_ref[...] + p1_ref[...]
        h1 = jnp.maximum(
            jnp.dot(a, w1_ref[...], preferred_element_type=jnp.float32)
            + prm_ref[0:1, :],
            0.0,
        )
        h1s[pl.ds(b * BLKR, BLKR), :] = h1
        s1 = jnp.sum(h1, axis=0, keepdims=True)
        s2 = jnp.sum(h1 * h1, axis=0, keepdims=True)

        @pl.when(b == 0)
        def _():
            stat[0:1, :] = s1
            stat[1:2, :] = s2

        @pl.when(b > 0)
        def _():
            stat[0:1, :] = stat[0:1, :] + s1
            stat[1:2, :] = stat[1:2, :] + s2

    @pl.when(p == 1)
    def _():
        @pl.when(b == 0)
        def _():
            mean = stat[0:1, :] * (1.0 / N)
            var = stat[1:2, :] * (1.0 / N) - mean * mean
            rstd = lax.rsqrt(var + BN_EPS)
            scale = prm_ref[1:2, :] * rstd
            stat[2:3, :] = scale
            stat[3:4, :] = prm_ref[2:3, :] - mean * scale

        h1 = h1s[pl.ds(b * BLKR, BLKR), :]
        h2 = h1 * stat[2:3, :] + stat[3:4, :]
        out_ref[...] = (
            jnp.dot(h2, w2_ref[...], preferred_element_type=jnp.float32)
            + prm_ref[3:4, :]
        )


def _tc_mlp(p0, p1, W1, W2, prm):
    return pl.pallas_call(
        _tc_body,
        grid=(2, NB),
        in_specs=[
            pl.BlockSpec((BLKR, F), lambda p, b: (jnp.where(p == 0, b, 0), 0)),
            pl.BlockSpec((BLKR, F), lambda p, b: (jnp.where(p == 0, b, 0), 0)),
            pl.BlockSpec((F, H), lambda p, b: (0, 0)),
            pl.BlockSpec((H, H), lambda p, b: (0, 0)),
            pl.BlockSpec((4, H), lambda p, b: (0, 0)),
        ],
        out_specs=pl.BlockSpec((BLKR, H), lambda p, b: (jnp.where(p == 0, 0, b), 0)),
        out_shape=jax.ShapeDtypeStruct((N, H), jnp.float32),
        scratch_shapes=[
            pltpu.VMEM((N, H), jnp.float32),
            pltpu.VMEM((8, 128), jnp.float32),
        ],
    )(p0, p1, W1, W2, prm)


def kernel(x, edge_index, W1, b1, gamma, beta, W2, b2):
    src, dst = _split(edge_index)
    p0, p1 = _sc_aggr(src, dst, x)
    prm = jnp.stack([b1, gamma, beta, b2])
    return _tc_mlp(p0, p1, W1, W2, prm)

# --- scband reference (transcript-rebuilt; emitter-appended) ---
"""Pipeline reference for scband-gin-28226525069445 (READ-ONLY COPY).

The authoritative reference and input builder live on the scoring server;
editing this copy changes nothing except your own understanding.
"""

import jax, jax.numpy as jnp
import numpy as np

N = 10000
E = 320000
F = 128
H = 128
BN_EPS = 1e-5


def setup_inputs(seed: int = 0) -> dict:
    key = jax.random.key(seed)
    k1, k2, k3, k4, k5, k6 = jax.random.split(key, 6)
    x = jax.random.normal(k1, (N, F), dtype=jnp.float32)
    edge_index = jax.random.randint(k2, (2, E), 0, N, dtype=jnp.int32)
    # mlp1 params (xavier-ish init): Linear(F,H), BatchNorm1d(H), Linear(H,H)
    W1 = jax.random.normal(k3, (F, H), dtype=jnp.float32) * jnp.sqrt(2.0 / (F + H))
    b1 = jnp.zeros((H,), dtype=jnp.float32)
    gamma = jnp.ones((H,), dtype=jnp.float32)
    beta = jnp.zeros((H,), dtype=jnp.float32)
    W2 = jax.random.normal(k4, (H, H), dtype=jnp.float32) * jnp.sqrt(2.0 / (H + H))
    b2 = jnp.zeros((H,), dtype=jnp.float32)
    return {"x": x, "edge_index": edge_index, "W1": W1, "b1": b1,
            "gamma": gamma, "beta": beta, "W2": W2, "b2": b2}


def reference(x, edge_index, W1, b1, gamma, beta, W2, b2):
    # GINConv with eps=0 (default), sum aggregation:
    #   out = mlp((1 + eps) * x + sum_{j in N(i)} x_j)
    src = edge_index[0]
    dst = edge_index[1]
    msg = jnp.take(x, src, axis=0)                      # gather: [E, F]
    aggr = jnp.zeros_like(x).at[dst].add(msg)           # scatter-add: [N, F]
    h = x + aggr                                        # (1+0)*x + aggr
    # mlp1: Linear -> ReLU -> BatchNorm1d (training-mode batch stats) -> Linear
    h = h @ W1 + b1
    h = jax.nn.relu(h)
    mean = jnp.mean(h, axis=0)
    var = jnp.var(h, axis=0)                            # biased variance, as torch BN
    h = (h - mean) / jnp.sqrt(var + BN_EPS) * gamma + beta
    out = h @ W2 + b2
    return out

if __name__ == "__main__":
    import jax
    _d = setup_inputs()
    print(jax.jit(kernel)(*tuple(_d.values())))

</pallas_src>

<mosaic_0001>
#map = affine_map<(d0, d1) -> (0)>
#map1 = affine_map<(d0, d1) -> (0, 0)>
module attributes {stable_mosaic.version = 14 : i64} {
  func.func @sc_aggr(%arg0: i32, %arg1: i32, %arg2: memref<320000xi32, #tpu.memory_space<hbm>>, %arg3: memref<320000xi32, #tpu.memory_space<hbm>>, %arg4: memref<10000x128xf32, #tpu.memory_space<hbm>>, %arg5: memref<10000x128xf32, #tpu.memory_space<hbm>>, %arg6: memref<10000x128xf32, #tpu.memory_space<hbm>>, %arg7: memref<128xi32, #tpu.memory_space<vmem>>, %arg8: memref<128xi32, #tpu.memory_space<vmem>>, %arg9: memref<128xi32, #tpu.memory_space<vmem>>, %arg10: memref<128xi32, #tpu.memory_space<vmem>>, %arg11: memref<128xi32, #tpu.memory_space<vmem>>, %arg12: memref<128xi32, #tpu.memory_space<vmem>>, %arg13: memref<128x128xf32, #tpu.memory_space<vmem>>, %arg14: memref<128x128xf32, #tpu.memory_space<vmem>>, %arg15: memref<128x128xf32, #tpu.memory_space<vmem>>, %arg16: memref<10112x128xf32, #tpu.memory_space<vmem_shared>>, %arg17: memref<!tpu.dma_semaphore, #tpu.memory_space<semaphore_mem>>, %arg18: memref<!tpu.dma_semaphore, #tpu.memory_space<semaphore_mem>>, %arg19: memref<!tpu.dma_semaphore, #tpu.memory_space<semaphore_mem>>, %arg20: memref<!tpu.dma_semaphore, #tpu.memory_space<semaphore_mem>>, %arg21: memref<!tpu.dma_semaphore, #tpu.memory_space<semaphore_mem>>, %arg22: memref<!tpu.dma_semaphore, #tpu.memory_space<semaphore_mem>>) attributes {dimension_semantics = [#tpu.dimension_semantics<core_parallel>, #tpu.dimension_semantics<subcore_parallel>], iteration_bounds = array<i64: 2, 16>, scalar_prefetch = 0 : i64, scratch_operands = 16 : i64, tpu.core_type = #tpu.core_type<sc_vector_subcore>, window_params = [{transform_indices = #map}, {transform_indices = #map}, {transform_indices = #map1}, {transform_indices = #map1}, {transform_indices = #map1}]} {
    %mul3A = arith.constant 16 : i32
    %mul3A_0 = arith.muli %arg0, %mul3A : i32
    %add3A = arith.addi %mul3A_0, %arg1 : i32
    %scan3A = arith.constant 0 : i32
    %scan3A_1 = arith.constant 0 : i32
    %scan3A_2 = arith.constant 128 : i32
    %scan3A_3 = arith.addi %scan3A_1, %scan3A_2 : i32
    %scan3A_4 = arith.constant 1 : i32
    scf.for %scan3A_96 = %scan3A_1 to %scan3A_3 step %scan3A_4  : i32 {
      %broadcast_in_dim3A = arith.constant 0.000000e+00 : f32
      %broadcast_in_dim3A_97 = vector.broadcast %broadcast_in_dim3A : f32 to vector<16xf32>
      %swap3A = arith.index_cast %scan3A_96 : i32 to index
      %swap3A_98 = arith.constant 0 : index
      %swap3A_99 = tpu.vector_load %arg13[%swap3A, %swap3A_98] {strides = array<i32>} : memref<128x128xf32, #tpu.memory_space<vmem>>, vector<1x16xf32>,
      %swap3A_100 = vector.shape_cast %swap3A_99 : vector<1x16xf32> to vector<16xf32>
      %swap3A_101 = vector.shape_cast %broadcast_in_dim3A_97 : vector<16xf32> to vector<1x16xf32>
      tpu.vector_store %arg13[%swap3A, %swap3A_98], %swap3A_101 {strides = array<i32>} : memref<128x128xf32, #tpu.memory_space<vmem>>, vector<1x16xf32>,
      %broadcast_in_dim3A_102 = arith.constant 0.000000e+00 : f32
      %broadcast_in_dim3A_103 = vector.broadcast %broadcast_in_dim3A_102 : f32 to vector<16xf32>
      %swap3A_104 = arith.index_cast %scan3A_96 : i32 to index
      %swap3A_105 = arith.constant 16 : index
      %swap3A_106 = tpu.vector_load %arg13[%swap3A_104, %swap3A_105] {strides = array<i32>} : memref<128x128xf32, #tpu.memory_space<vmem>>, vector<1x16xf32>,
      %swap3A_107 = vector.shape_cast %swap3A_106 : vector<1x16xf32> to vector<16xf32>
      %swap3A_108 = vector.shape_cast %broadcast_in_dim3A_103 : vector<16xf32> to vector<1x16xf32>
      tpu.vector_store %arg13[%swap3A_104, %swap3A_105], %swap3A_108 {strides = array<i32>} : memref<128x128xf32, #tpu.memory_space<vmem>>, vector<1x16xf32>,
      %broadcast_in_dim3A_109 = arith.constant 0.000000e+00 : f32
      %broadcast_in_dim3A_110 = vector.broadcast %broadcast_in_dim3A_109 : f32 to vector<16xf32>
      %swap3A_111 = arith.index_cast %scan3A_96 : i32 to index
      %swap3A_112 = arith.constant 32 : index
      %swap3A_113 = tpu.vector_load %arg13[%swap3A_111, %swap3A_112] {strides = array<i32>} : memref<128x128xf32, #tpu.memory_space<vmem>>, vector<1x16xf32>,
      %swap3A_114 = vector.shape_cast %swap3A_113 : vector<1x16xf32> to vector<16xf32>
      %swap3A_115 = vector.shape_cast %broadcast_in_dim3A_110 : vector<16xf32> to vector<1x16xf32>
      tpu.vector_store %arg13[%swap3A_111, %swap3A_112], %swap3A_115 {strides = array<i32>} : memref<128x128xf32, #tpu.memory_space<vmem>>, vector<1x16xf32>,
      %broadcast_in_dim3A_116 = arith.constant 0.000000e+00 : f32
      %broadcast_in_dim3A_117 = vector.broadcast %broadcast_in_dim3A_116 : f32 to vector<16xf32>
      %swap3A_118 = arith.index_cast %scan3A_96 : i32 to index
      %swap3A_119 = arith.constant 48 : index
      %swap3A_120 = tpu.vector_load %arg13[%swap3A_118, %swap3A_119] {strides = array<i32>} : memref<128x128xf32, #tpu.memory_space<vmem>>, vector<1x16xf32>,
      %swap3A_121 = vector.shape_cast %swap3A_120 : vector<1x16xf32> to vector<16xf32>
      %swap3A_122 = vector.shape_cast %broadcast_in_dim3A_117 : vector<16xf32> to vector<1x16xf32>
      tpu.vector_store %arg13[%swap3A_118, %swap3A_119], %swap3A_122 {strides = array<i32>} : memref<128x128xf32, #tpu.memory_space<vmem>>, vector<1x16xf32>,
      %broadcast_in_dim3A_123 = arith.constant 0.000000e+00 : f32
      %broadcast_in_dim3A_124 = vector.broadcast %broadcast_in_dim3A_123 : f32 to vector<16xf32>
      %swap3A_125 = arith.index_cast %scan3A_96 : i32 to index
      %swap3A_126 = arith.constant 64 : index
      %swap3A_127 = tpu.vector_load %arg13[%swap3A_125, %swap3A_126] {strides = array<i32>} : memref<128x128xf32, #tpu.memory_space<vmem>>, vector<1x16xf32>,
      %swap3A_128 = vector.shape_cast %swap3A_127 : vector<1x16xf32> to vector<16xf32>
      %swap3A_129 = vector.shape_cast %broadcast_in_dim3A_124 : vector<16xf32> to vector<1x16xf32>
      tpu.vector_store %arg13[%swap3A_125, %swap3A_126], %swap3A_129 {strides = array<i32>} : memref<128x128xf32, #tpu.memory_space<vmem>>, vector<1x16xf32>,
      %broadcast_in_dim3A_130 = arith.constant 0.000000e+00 : f32
      %broadcast_in_dim3A_131 = vector.broadcast %broadcast_in_dim3A_130 : f32 to vector<16xf32>
      %swap3A_132 = arith.index_cast %scan3A_96 : i32 to index
      %swap3A_133 = arith.constant 80 : index
      %swap3A_134 = tpu.vector_load %arg13[%swap3A_132, %swap3A_133] {strides = array<i32>} : memref<128x128xf32, #tpu.memory_space<vmem>>, vector<1x16xf32>,
      %swap3A_135 = vector.shape_cast %swap3A_134 : vector<1x16xf32> to vector<16xf32>
      %swap3A_136 = vector.shape_cast %broadcast_in_dim3A_131 : vector<16xf32> to vector<1x16xf32>
      tpu.vector_store %arg13[%swap3A_132, %swap3A_133], %swap3A_136 {strides = array<i32>} : memref<128x128xf32, #tpu.memory_space<vmem>>, vector<1x16xf32>,
      %broadcast_in_dim3A_137 = arith.constant 0.000000e+00 : f32
      %broadcast_in_dim3A_138 = vector.broadcast %broadcast_in_dim3A_137 : f32 to vector<16xf32>
      %swap3A_139 = arith.index_cast %scan3A_96 : i32 to index
      %swap3A_140 = arith.constant 96 : index
      %swap3A_141 = tpu.vector_load %arg13[%swap3A_139, %swap3A_140] {strides = array<i32>} : memref<128x128xf32, #tpu.memory_space<vmem>>, vector<1x16xf32>,
      %swap3A_142 = vector.shape_cast %swap3A_141 : vector<1x16xf32> to vector<16xf32>
      %swap3A_143 = vector.shape_cast %broadcast_in_dim3A_138 : vector<16xf32> to vector<1x16xf32>
      tpu.vector_store %arg13[%swap3A_139, %swap3A_140], %swap3A_143 {strides = array<i32>} : memref<128x128xf32, #tpu.memory_space<vmem>>, vector<1x16xf32>,
      %broadcast_in_dim3A_144 = arith.constant 0.000000e+00 : f32
      %broadcast_in_dim3A_145 = vector.broadcast %broadcast_in_dim3A_144 : f32 to vector<16xf32>
      %swap3A_146 = arith.index_cast %scan3A_96 : i32 to index
      %swap3A_147 = arith.constant 112 : index
      %swap3A_148 = tpu.vector_load %arg13[%swap3A_146, %swap3A_147] {strides = array<i32>} : memref<128x128xf32, #tpu.memory_space<vmem>>, vector<1x16xf32>,
      %swap3A_149 = vector.shape_cast %swap3A_148 : vector<1x16xf32> to vector<16xf32>
      %swap3A_150 = vector.shape_cast %broadcast_in_dim3A_145 : vector<16xf32> to vector<1x16xf32>
      tpu.vector_store %arg13[%swap3A_146, %swap3A_147], %swap3A_150 {strides = array<i32>} : memref<128x128xf32, #tpu.memory_space<vmem>>, vector<1x16xf32>,
    }
    %scan3A_5 = arith.constant 128 : i32
    %eq3A = arith.constant 1 : i32
    %eq3A_6 = arith.cmpi eq, %arg0, %eq3A : i32
    %convert_element_type3A = arith.extui %eq3A_6 : i1 to i32
    %cond3A = arith.constant 0 : i32
    %cond3A_7 = arith.cmpi ne, %convert_element_type3A, %cond3A : i32
    scf.if %cond3A_7 {
      %mul3A_96 = arith.constant 632 : i32
      %mul3A_97 = arith.muli %arg1, %mul3A_96 : i32
      %add3A_98 = arith.constant 0 : i32
      %add3A_99 = arith.addi %mul3A_97, %add3A_98 : i32
      "tpu.region"() ({
        %run_scoped3A = tpu.sem_alloc : memref<!tpu.dma_semaphore, #tpu.memory_space<semaphore_mem>>
        %dma_start3A_116 = arith.constant 0 : i32
        %dma_start3A_117 = tpu.memref_slice %arg16[%add3A_99, %dma_start3A_116] : memref<10112x128xf32, #tpu.memory_space<vmem_shared>> -> memref<128x128xf32, #tpu.memory_space<vmem_shared>>
        %dma_start3A_118 = arith.constant 0 : i32
        %dma_start3A_119 = tpu.memref_slice %arg16[%add3A_99, %dma_start3A_118] : memref<10112x128xf32, #tpu.memory_space<vmem_shared>> -> memref<128x128xf32, #tpu.memory_space<vmem_shared>>
        tpu.enqueue_dma source(%arg13 : memref<128x128xf32, #tpu.memory_space<vmem>>) target(%dma_start3A_119 : memref<128x128xf32, #tpu.memory_space<vmem_shared>>) target_semaphore(%run_scoped3A : memref<!tpu.dma_semaphore, #tpu.memory_space<semaphore_mem>>)
        %dma_wait3A_120 = arith.constant 0 : i32
        %dma_wait3A_121 = tpu.memref_slice %arg16[%add3A_99, %dma_wait3A_120] : memref<10112x128xf32, #tpu.memory_space<vmem_shared>> -> memref<128x128xf32, #tpu.memory_space<vmem_shared>>
        %dma_wait3A_122 = arith.constant 0 : i32
        %dma_wait3A_123 = tpu.memref_slice %arg16[%add3A_99, %dma_wait3A_122] : memref<10112x128xf32, #tpu.memory_space<vmem_shared>> -> memref<128x128xf32, #tpu.memory_space<vmem_shared>>
        tpu.wait_dma2 semaphore(%run_scoped3A : memref<!tpu.dma_semaphore, #tpu.memory_space<semaphore_mem>>) src(%arg13 : memref<128x128xf32, #tpu.memory_space<vmem>>) dst(%dma_wait3A_123 : memref<128x128xf32, #tpu.memory_space<vmem_shared>>)
        tpu.yield
      }) : () -> ()
      %mul3A_100 = arith.constant 632 : i32
      %mul3A_101 = arith.muli %arg1, %mul3A_100 : i32
      %add3A_102 = arith.constant 128 : i32
      %add3A_103 = arith.addi %mul3A_101, %add3A_102 : i32
      "tpu.region"() ({
        %run_scoped3A = tpu.sem_alloc : memref<!tpu.dma_semaphore, #tpu.memory_space<semaphore_mem>>
        %dma_start3A_116 = arith.constant 0 : i32
        %dma_start3A_117 = tpu.memref_slice %arg16[%add3A_103, %dma_start3A_116] : memref<10112x128xf32, #tpu.memory_space<vmem_shared>> -> memref<128x128xf32, #tpu.memory_space<vmem_shared>>
        %dma_start3A_118 = arith.constant 0 : i32
        %dma_start3A_119 = tpu.memref_slice %arg16[%add3A_103, %dma_start3A_118] : memref<10112x128xf32, #tpu.memory_space<vmem_shared>> -> memref<128x128xf32, #tpu.memory_space<vmem_shared>>
        tpu.enqueue_dma source(%arg13 : memref<128x128xf32, #tpu.memory_space<vmem>>) target(%dma_start3A_119 : memref<128x128xf32, #tpu.memory_space<vmem_shared>>) target_semaphore(%run_scoped3A : memref<!tpu.dma_semaphore, #tpu.memory_space<semaphore_mem>>)
        %dma_wait3A_120 = arith.constant 0 : i32
        %dma_wait3A_121 = tpu.memref_slice %arg16[%add3A_103, %dma_wait3A_120] : memref<10112x128xf32, #tpu.memory_space<vmem_shared>> -> memref<128x128xf32, #tpu.memory_space<vmem_shared>>
        %dma_wait3A_122 = arith.constant 0 : i32
        %dma_wait3A_123 = tpu.memref_slice %arg16[%add3A_103, %dma_wait3A_122] : memref<10112x128xf32, #tpu.memory_space<vmem_shared>> -> memref<128x128xf32, #tpu.memory_space<vmem_shared>>
        tpu.wait_dma2 semaphore(%run_scoped3A : memref<!tpu.dma_semaphore, #tpu.memory_space<semaphore_mem>>) src(%arg13 : memref<128x128xf32, #tpu.memory_space<vmem>>) dst(%dma_wait3A_123 : memref<128x128xf32, #tpu.memory_space<vmem_shared>>)
        tpu.yield
      }) : () -> ()
      %mul3A_104 = arith.constant 632 : i32
      %mul3A_105 = arith.muli %arg1, %mul3A_104 : i32
      %add3A_106 = arith.constant 256 : i32
      %add3A_107 = arith.addi %mul3A_105, %add3A_106 : i32
      "tpu.region"() ({
        %run_scoped3A = tpu.sem_alloc : memref<!tpu.dma_semaphore, #tpu.memory_space<semaphore_mem>>
        %dma_start3A_116 = arith.constant 0 : i32
        %dma_start3A_117 = tpu.memref_slice %arg16[%add3A_107, %dma_start3A_116] : memref<10112x128xf32, #tpu.memory_space<vmem_shared>> -> memref<128x128xf32, #tpu.memory_space<vmem_shared>>
        %dma_start3A_118 = arith.constant 0 : i32
        %dma_start3A_119 = tpu.memref_slice %arg16[%add3A_107, %dma_start3A_118] : memref<10112x128xf32, #tpu.memory_space<vmem_shared>> -> memref<128x128xf32, #tpu.memory_space<vmem_shared>>
        tpu.enqueue_dma source(%arg13 : memref<128x128xf32, #tpu.memory_space<vmem>>) target(%dma_start3A_119 : memref<128x128xf32, #tpu.memory_space<vmem_shared>>) target_semaphore(%run_scoped3A : memref<!tpu.dma_semaphore, #tpu.memory_space<semaphore_mem>>)
        %dma_wait3A_120 = arith.constant 0 : i32
        %dma_wait3A_121 = tpu.memref_slice %arg16[%add3A_107, %dma_wait3A_120] : memref<10112x128xf32, #tpu.memory_space<vmem_shared>> -> memref<128x128xf32, #tpu.memory_space<vmem_shared>>
        %dma_wait3A_122 = arith.constant 0 : i32
        %dma_wait3A_123 = tpu.memref_slice %arg16[%add3A_107, %dma_wait3A_122] : memref<10112x128xf32, #tpu.memory_space<vmem_shared>> -> memref<128x128xf32, #tpu.memory_space<vmem_shared>>
        tpu.wait_dma2 semaphore(%run_scoped3A : memref<!tpu.dma_semaphore, #tpu.memory_space<semaphore_mem>>) src(%arg13 : memref<128x128xf32, #tpu.memory_space<vmem>>) dst(%dma_wait3A_123 : memref<128x128xf32, #tpu.memory_space<vmem_shared>>)
        tpu.yield
      }) : () -> ()
      %mul3A_108 = arith.constant 632 : i32
      %mul3A_109 = arith.muli %arg1, %mul3A_108 : i32
      %add3A_110 = arith.constant 384 : i32
      %add3A_111 = arith.addi %mul3A_109, %add3A_110 : i32
      "tpu.region"() ({
        %run_scoped3A = tpu.sem_alloc : memref<!tpu.dma_semaphore, #tpu.memory_space<semaphore_mem>>
        %dma_start3A_116 = arith.constant 0 : i32
        %dma_start3A_117 = tpu.memref_slice %arg16[%add3A_111, %dma_start3A_116] : memref<10112x128xf32, #tpu.memory_space<vmem_shared>> -> memref<128x128xf32, #tpu.memory_space<vmem_shared>>
        %dma_start3A_118 = arith.constant 0 : i32
        %dma_start3A_119 = tpu.memref_slice %arg16[%add3A_111, %dma_start3A_118] : memref<10112x128xf32, #tpu.memory_space<vmem_shared>> -> memref<128x128xf32, #tpu.memory_space<vmem_shared>>
        tpu.enqueue_dma source(%arg13 : memref<128x128xf32, #tpu.memory_space<vmem>>) target(%dma_start3A_119 : memref<128x128xf32, #tpu.memory_space<vmem_shared>>) target_semaphore(%run_scoped3A : memref<!tpu.dma_semaphore, #tpu.memory_space<semaphore_mem>>)
        %dma_wait3A_120 = arith.constant 0 : i32
        %dma_wait3A_121 = tpu.memref_slice %arg16[%add3A_111, %dma_wait3A_120] : memref<10112x128xf32, #tpu.memory_space<vmem_shared>> -> memref<128x128xf32, #tpu.memory_space<vmem_shared>>
        %dma_wait3A_122 = arith.constant 0 : i32
        %dma_wait3A_123 = tpu.memref_slice %arg16[%add3A_111, %dma_wait3A_122] : memref<10112x128xf32, #tpu.memory_space<vmem_shared>> -> memref<128x128xf32, #tpu.memory_space<vmem_shared>>
        tpu.wait_dma2 semaphore(%run_scoped3A : memref<!tpu.dma_semaphore, #tpu.memory_space<semaphore_mem>>) src(%arg13 : memref<128x128xf32, #tpu.memory_space<vmem>>) dst(%dma_wait3A_123 : memref<128x128xf32, #tpu.memory_space<vmem_shared>>)
        tpu.yield
      }) : () -> ()
      %mul3A_112 = arith.constant 632 : i32
      %mul3A_113 = arith.muli %arg1, %mul3A_112 : i32
      %add3A_114 = arith.constant 512 : i32
      %add3A_115 = arith.addi %mul3A_113, %add3A_114 : i32
      "tpu.region"() ({
        %run_scoped3A = tpu.sem_alloc : memref<!tpu.dma_semaphore, #tpu.memory_space<semaphore_mem>>
        %dma_start3A_116 = arith.constant 0 : i32
        %dma_start3A_117 = arith.constant 0 : i32
        %dma_start3A_118 = tpu.memref_slice %arg13[%dma_start3A_116, %dma_start3A_117] : memref<128x128xf32, #tpu.memory_space<vmem>> -> memref<120x128xf32, #tpu.memory_space<vmem>>
        %dma_start3A_119 = arith.constant 0 : i32
        %dma_start3A_120 = tpu.memref_slice %arg16[%add3A_115, %dma_start3A_119] : memref<10112x128xf32, #tpu.memory_space<vmem_shared>> -> memref<120x128xf32, #tpu.memory_space<vmem_shared>>
        %dma_start3A_121 = arith.constant 0 : i32
        %dma_start3A_122 = tpu.memref_slice %arg16[%add3A_115, %dma_start3A_121] : memref<10112x128xf32, #tpu.memory_space<vmem_shared>> -> memref<120x128xf32, #tpu.memory_space<vmem_shared>>
        %dma_start3A_123 = arith.constant 0 : i32
        %dma_start3A_124 = arith.constant 0 : i32
        %dma_start3A_125 = tpu.memref_slice %arg13[%dma_start3A_123, %dma_start3A_124] : memref<128x128xf32, #tpu.memory_space<vmem>> -> memref<120x128xf32, #tpu.memory_space<vmem>>
        tpu.enqueue_dma source(%dma_start3A_125 : memref<120x128xf32, #tpu.memory_space<vmem>>) target(%dma_start3A_122 : memref<120x128xf32, #tpu.memory_space<vmem_shared>>) target_semaphore(%run_scoped3A : memref<!tpu.dma_semaphore, #tpu.memory_space<semaphore_mem>>)
        %dma_wait3A_126 = arith.constant 0 : i32
        %dma_wait3A_127 = arith.constant 0 : i32
        %dma_wait3A_128 = tpu.memref_slice %arg13[%dma_wait3A_126, %dma_wait3A_127] : memref<128x128xf32, #tpu.memory_space<vmem>> -> memref<120x128xf32, #tpu.memory_space<vmem>>
        %dma_wait3A_129 = arith.constant 0 : i32
        %dma_wait3A_130 = tpu.memref_slice %arg16[%add3A_115, %dma_wait3A_129] : memref<10112x128xf32, #tpu.memory_space<vmem_shared>> -> memref<120x128xf32, #tpu.memory_space<vmem_shared>>
        %dma_wait3A_131 = arith.constant 0 : i32
        %dma_wait3A_132 = tpu.memref_slice %arg16[%add3A_115, %dma_wait3A_131] : memref<10112x128xf32, #tpu.memory_space<vmem_shared>> -> memref<120x128xf32, #tpu.memory_space<vmem_shared>>
        %dma_wait3A_133 = arith.constant 0 : i32
        %dma_wait3A_134 = arith.constant 0 : i32
        %dma_wait3A_135 = tpu.memref_slice %arg13[%dma_wait3A_133, %dma_wait3A_134] : memref<128x128xf32, #tpu.memory_space<vmem>> -> memref<120x128xf32, #tpu.memory_space<vmem>>
        tpu.wait_dma2 semaphore(%run_scoped3A : memref<!tpu.dma_semaphore, #tpu.memory_space<semaphore_mem>>) src(%dma_wait3A_135 : memref<120x128xf32, #tpu.memory_space<vmem>>) dst(%dma_wait3A_132 : memref<120x128xf32, #tpu.memory_space<vmem_shared>>)
        tpu.yield
      }) : () -> ()
    } else {
    }
    %eq3A_8 = arith.constant 0 : i32
    %eq3A_9 = arith.cmpi eq, %arg0, %eq3A_8 : i32
    %lt3A = arith.constant 15 : i32
    %lt3A_10 = arith.cmpi slt, %arg1, %lt3A : i32
    %and3A = arith.andi %eq3A_9, %lt3A_10 : i1
    %convert_element_type3A_11 = arith.extui %and3A : i1 to i32
    %cond3A_12 = arith.constant 0 : i32
    %cond3A_13 = arith.cmpi ne, %convert_element_type3A_11, %cond3A_12 : i32
    scf.if %cond3A_13 {
      %mul3A_96 = arith.constant 632 : i32
      %mul3A_97 = arith.muli %arg1, %mul3A_96 : i32
      %add3A_98 = arith.constant 0 : i32
      %add3A_99 = arith.addi %mul3A_97, %add3A_98 : i32
      %mul3A_100 = arith.constant 632 : i32
      %mul3A_101 = arith.muli %arg1, %mul3A_100 : i32
      %add3A_102 = arith.constant 0 : i32
      %add3A_103 = arith.addi %mul3A_101, %add3A_102 : i32
      "tpu.region"() ({
        %run_scoped3A = tpu.sem_alloc : memref<!tpu.dma_semaphore, #tpu.memory_space<semaphore_mem>>
        %dma_start3A_136 = arith.constant 0 : i32
        %dma_start3A_137 = tpu.memref_slice %arg16[%add3A_103, %dma_start3A_136] : memref<10112x128xf32, #tpu.memory_space<vmem_shared>> -> memref<128x128xf32, #tpu.memory_space<vmem_shared>>
        %dma_start3A_138 = arith.constant 0 : i32
        %dma_start3A_139 = tpu.memref_slice %arg4[%add3A_99, %dma_start3A_138] : memref<10000x128xf32, #tpu.memory_space<hbm>> -> memref<128x128xf32, #tpu.memory_space<hbm>>
        tpu.enqueue_dma source(%dma_start3A_139 : memref<128x128xf32, #tpu.memory_space<hbm>>) target(%dma_start3A_137 : memref<128x128xf32, #tpu.memory_space<vmem_shared>>) target_semaphore(%run_scoped3A : memref<!tpu.dma_semaphore, #tpu.memory_space<semaphore_mem>>)
        %dma_wait3A_140 = arith.constant 0 : i32
        %dma_wait3A_141 = tpu.memref_slice %arg16[%add3A_103, %dma_wait3A_140] : memref<10112x128xf32, #tpu.memory_space<vmem_shared>> -> memref<128x128xf32, #tpu.memory_space<vmem_shared>>
        %dma_wait3A_142 = arith.constant 0 : i32
        %dma_wait3A_143 = tpu.memref_slice %arg4[%add3A_99, %dma_wait3A_142] : memref<10000x128xf32, #tpu.memory_space<hbm>> -> memref<128x128xf32, #tpu.memory_space<hbm>>
        tpu.wait_dma2 semaphore(%run_scoped3A : memref<!tpu.dma_semaphore, #tpu.memory_space<semaphore_mem>>) src(%dma_wait3A_143 : memref<128x128xf32, #tpu.memory_space<hbm>>) dst(%dma_wait3A_141 : memref<128x128xf32, #tpu.memory_space<vmem_shared>>)
        tpu.yield
      }) : () -> ()
      %mul3A_104 = arith.constant 632 : i32
      %mul3A_105 = arith.muli %arg1, %mul3A_104 : i32
      %add3A_106 = arith.constant 128 : i32
      %add3A_107 = arith.addi %mul3A_105, %add3A_106 : i32
      %mul3A_108 = arith.constant 632 : i32
      %mul3A_109 = arith.muli %arg1, %mul3A_108 : i32
      %add3A_110 = arith.constant 128 : i32
      %add3A_111 = arith.addi %mul3A_109, %add3A_110 : i32
      "tpu.region"() ({
        %run_scoped3A = tpu.sem_alloc : memref<!tpu.dma_semaphore, #tpu.memory_space<semaphore_mem>>
        %dma_start3A_136 = arith.constant 0 : i32
        %dma_start3A_137 = tpu.memref_slice %arg16[%add3A_111, %dma_start3A_136] : memref<10112x128xf32, #tpu.memory_space<vmem_shared>> -> memref<128x128xf32, #tpu.memory_space<vmem_shared>>
        %dma_start3A_138 = arith.constant 0 : i32
        %dma_start3A_139 = tpu.memref_slice %arg4[%add3A_107, %dma_start3A_138] : memref<10000x128xf32, #tpu.memory_space<hbm>> -> memref<128x128xf32, #tpu.memory_space<hbm>>
        tpu.enqueue_dma source(%dma_start3A_139 : memref<128x128xf32, #tpu.memory_space<hbm>>) target(%dma_start3A_137 : memref<128x128xf32, #tpu.memory_space<vmem_shared>>) target_semaphore(%run_scoped3A : memref<!tpu.dma_semaphore, #tpu.memory_space<semaphore_mem>>)
        %dma_wait3A_140 = arith.constant 0 : i32
        %dma_wait3A_141 = tpu.memref_slice %arg16[%add3A_111, %dma_wait3A_140] : memref<10112x128xf32, #tpu.memory_space<vmem_shared>> -> memref<128x128xf32, #tpu.memory_space<vmem_shared>>
        %dma_wait3A_142 = arith.constant 0 : i32
        %dma_wait3A_143 = tpu.memref_slice %arg4[%add3A_107, %dma_wait3A_142] : memref<10000x128xf32, #tpu.memory_space<hbm>> -> memref<128x128xf32, #tpu.memory_space<hbm>>
        tpu.wait_dma2 semaphore(%run_scoped3A : memref<!tpu.dma_semaphore, #tpu.memory_space<semaphore_mem>>) src(%dma_wait3A_143 : memref<128x128xf32, #tpu.memory_space<hbm>>) dst(%dma_wait3A_141 : memref<128x128xf32, #tpu.memory_space<vmem_shared>>)
        tpu.yield
      }) : () -> ()
      %mul3A_112 = arith.constant 632 : i32
      %mul3A_113 = arith.muli %arg1, %mul3A_112 : i32
      %add3A_114 = arith.constant 256 : i32
      %add3A_115 = arith.addi %mul3A_113, %add3A_114 : i32
      %mul3A_116 = arith.constant 632 : i32
      %mul3A_117 = arith.muli %arg1, %mul3A_116 : i32
      %add3A_118 = arith.constant 256 : i32
      %add3A_119 = arith.addi %mul3A_117, %add3A_118 : i32
      "tpu.region"() ({
        %run_scoped3A = tpu.sem_alloc : memref<!tpu.dma_semaphore, #tpu.memory_space<semaphore_mem>>
        %dma_start3A_136 = arith.constant 0 : i32
        %dma_start3A_137 = tpu.memref_slice %arg16[%add3A_119, %dma_start3A_136] : memref<10112x128xf32, #tpu.memory_space<vmem_shared>> -> memref<128x128xf32, #tpu.memory_space<vmem_shared>>
        %dma_start3A_138 = arith.constant 0 : i32
        %dma_start3A_139 = tpu.memref_slice %arg4[%add3A_115, %dma_start3A_138] : memref<10000x128xf32, #tpu.memory_space<hbm>> -> memref<128x128xf32, #tpu.memory_space<hbm>>
        tpu.enqueue_dma source(%dma_start3A_139 : memref<128x128xf32, #tpu.memory_space<hbm>>) target(%dma_start3A_137 : memref<128x128xf32, #tpu.memory_space<vmem_shared>>) target_semaphore(%run_scoped3A : memref<!tpu.dma_semaphore, #tpu.memory_space<semaphore_mem>>)
        %dma_wait3A_140 = arith.constant 0 : i32
        %dma_wait3A_141 = tpu.memref_slice %arg16[%add3A_119, %dma_wait3A_140] : memref<10112x128xf32, #tpu.memory_space<vmem_shared>> -> memref<128x128xf32, #tpu.memory_space<vmem_shared>>
        %dma_wait3A_142 = arith.constant 0 : i32
        %dma_wait3A_143 = tpu.memref_slice %arg4[%add3A_115, %dma_wait3A_142] : memref<10000x128xf32, #tpu.memory_space<hbm>> -> memref<128x128xf32, #tpu.memory_space<hbm>>
        tpu.wait_dma2 semaphore(%run_scoped3A : memref<!tpu.dma_semaphore, #tpu.memory_space<semaphore_mem>>) src(%dma_wait3A_143 : memref<128x128xf32, #tpu.memory_space<hbm>>) dst(%dma_wait3A_141 : memref<128x128xf32, #tpu.memory_space<vmem_shared>>)
        tpu.yield
      }) : () -> ()
      %mul3A_120 = arith.constant 632 : i32
      %mul3A_121 = arith.muli %arg1, %mul3A_120 : i32
      %add3A_122 = arith.constant 384 : i32
      %add3A_123 = arith.addi %mul3A_121, %add3A_122 : i32
      %mul3A_124 = arith.constant 632 : i32
      %mul3A_125 = arith.muli %arg1, %mul3A_124 : i32
      %add3A_126 = arith.constant 384 : i32
      %add3A_127 = arith.addi %mul3A_125, %add3A_126 : i32
      "tpu.region"() ({
        %run_scoped3A = tpu.sem_alloc : memref<!tpu.dma_semaphore, #tpu.memory_space<semaphore_mem>>
        %dma_start3A_136 = arith.constant 0 : i32
        %dma_start3A_137 = tpu.memref_slice %arg16[%add3A_127, %dma_start3A_136] : memref<10112x128xf32, #tpu.memory_space<vmem_shared>> -> memref<128x128xf32, #tpu.memory_space<vmem_shared>>
        %dma_start3A_138 = arith.constant 0 : i32
        %dma_start3A_139 = tpu.memref_slice %arg4[%add3A_123, %dma_start3A_138] : memref<10000x128xf32, #tpu.memory_space<hbm>> -> memref<128x128xf32, #tpu.memory_space<hbm>>
        tpu.enqueue_dma source(%dma_start3A_139 : memref<128x128xf32, #tpu.memory_space<hbm>>) target(%dma_start3A_137 : memref<128x128xf32, #tpu.memory_space<vmem_shared>>) target_semaphore(%run_scoped3A : memref<!tpu.dma_semaphore, #tpu.memory_space<semaphore_mem>>)
        %dma_wait3A_140 = arith.constant 0 : i32
        %dma_wait3A_141 = tpu.memref_slice %arg16[%add3A_127, %dma_wait3A_140] : memref<10112x128xf32, #tpu.memory_space<vmem_shared>> -> memref<128x128xf32, #tpu.memory_space<vmem_shared>>
        %dma_wait3A_142 = arith.constant 0 : i32
        %dma_wait3A_143 = tpu.memref_slice %arg4[%add3A_123, %dma_wait3A_142] : memref<10000x128xf32, #tpu.memory_space<hbm>> -> memref<128x128xf32, #tpu.memory_space<hbm>>
        tpu.wait_dma2 semaphore(%run_scoped3A : memref<!tpu.dma_semaphore, #tpu.memory_space<semaphore_mem>>) src(%dma_wait3A_143 : memref<128x128xf32, #tpu.memory_space<hbm>>) dst(%dma_wait3A_141 : memref<128x128xf32, #tpu.memory_space<vmem_shared>>)
        tpu.yield
      }) : () -> ()
      %mul3A_128 = arith.constant 632 : i32
      %mul3A_129 = arith.muli %arg1, %mul3A_128 : i32
      %add3A_130 = arith.constant 512 : i32
      %add3A_131 = arith.addi %mul3A_129, %add3A_130 : i32
      %mul3A_132 = arith.constant 632 : i32
      %mul3A_133 = arith.muli %arg1, %mul3A_132 : i32
      %add3A_134 = arith.constant 512 : i32
      %add3A_135 = arith.addi %mul3A_133, %add3A_134 : i32
      "tpu.region"() ({
        %run_scoped3A = tpu.sem_alloc : memref<!tpu.dma_semaphore, #tpu.memory_space<semaphore_mem>>
        %dma_start3A_136 = arith.constant 0 : i32
        %dma_start3A_137 = tpu.memref_slice %arg16[%add3A_135, %dma_start3A_136] : memref<10112x128xf32, #tpu.memory_space<vmem_shared>> -> memref<120x128xf32, #tpu.memory_space<vmem_shared>>
        %dma_start3A_138 = arith.constant 0 : i32
        %dma_start3A_139 = tpu.memref_slice %arg4[%add3A_131, %dma_start3A_138] : memref<10000x128xf32, #tpu.memory_space<hbm>> -> memref<120x128xf32, #tpu.memory_space<hbm>>
        tpu.enqueue_dma source(%dma_start3A_139 : memref<120x128xf32, #tpu.memory_space<hbm>>) target(%dma_start3A_137 : memref<120x128xf32, #tpu.memory_space<vmem_shared>>) target_semaphore(%run_scoped3A : memref<!tpu.dma_semaphore, #tpu.memory_space<semaphore_mem>>)
        %dma_wait3A_140 = arith.constant 0 : i32
        %dma_wait3A_141 = tpu.memref_slice %arg16[%add3A_135, %dma_wait3A_140] : memref<10112x128xf32, #tpu.memory_space<vmem_shared>> -> memref<120x128xf32, #tpu.memory_space<vmem_shared>>
        %dma_wait3A_142 = arith.constant 0 : i32
        %dma_wait3A_143 = tpu.memref_slice %arg4[%add3A_131, %dma_wait3A_142] : memref<10000x128xf32, #tpu.memory_space<hbm>> -> memref<120x128xf32, #tpu.memory_space<hbm>>
        tpu.wait_dma2 semaphore(%run_scoped3A : memref<!tpu.dma_semaphore, #tpu.memory_space<semaphore_mem>>) src(%dma_wait3A_143 : memref<120x128xf32, #tpu.memory_space<hbm>>) dst(%dma_wait3A_141 : memref<120x128xf32, #tpu.memory_space<vmem_shared>>)
        tpu.yield
      }) : () -> ()
    } else {
    }
    %eq3A_14 = arith.constant 0 : i32
    %eq3A_15 = arith.cmpi eq, %arg0, %eq3A_14 : i32
    %eq3A_16 = arith.constant 15 : i32
    %eq3A_17 = arith.cmpi eq, %arg1, %eq3A_16 : i32
    %and3A_18 = arith.andi %eq3A_15, %eq3A_17 : i1
    %convert_element_type3A_19 = arith.extui %and3A_18 : i1 to i32
    %cond3A_20 = arith.constant 0 : i32
    %cond3A_21 = arith.cmpi ne, %convert_element_type3A_19, %cond3A_20 : i32
    scf.if %cond3A_21 {
      "tpu.region"() ({
        %run_scoped3A = tpu.sem_alloc : memref<!tpu.dma_semaphore, #tpu.memory_space<semaphore_mem>>
        %dma_start3A_96 = arith.constant 9480 : i32
        %dma_start3A_97 = arith.constant 0 : i32
        %dma_start3A_98 = tpu.memref_slice %arg16[%dma_start3A_96, %dma_start3A_97] : memref<10112x128xf32, #tpu.memory_space<vmem_shared>> -> memref<128x128xf32, #tpu.memory_space<vmem_shared>>
        %dma_start3A_99 = arith.constant 9480 : i32
        %dma_start3A_100 = arith.constant 0 : i32
        %dma_start3A_101 = tpu.memref_slice %arg4[%dma_start3A_99, %dma_start3A_100] : memref<10000x128xf32, #tpu.memory_space<hbm>> -> memref<128x128xf32, #tpu.memory_space<hbm>>
        tpu.enqueue_dma source(%dma_start3A_101 : memref<128x128xf32, #tpu.memory_space<hbm>>) target(%dma_start3A_98 : memref<128x128xf32, #tpu.memory_space<vmem_shared>>) target_semaphore(%run_scoped3A : memref<!tpu.dma_semaphore, #tpu.memory_space<semaphore_mem>>)
        %dma_wait3A_102 = arith.constant 9480 : i32
        %dma_wait3A_103 = arith.constant 0 : i32
        %dma_wait3A_104 = tpu.memref_slice %arg16[%dma_wait3A_102, %dma_wait3A_103] : memref<10112x128xf32, #tpu.memory_space<vmem_shared>> -> memref<128x128xf32, #tpu.memory_space<vmem_shared>>
        %dma_wait3A_105 = arith.constant 9480 : i32
        %dma_wait3A_106 = arith.constant 0 : i32
        %dma_wait3A_107 = tpu.memref_slice %arg4[%dma_wait3A_105, %dma_wait3A_106] : memref<10000x128xf32, #tpu.memory_space<hbm>> -> memref<128x128xf32, #tpu.memory_space<hbm>>
        tpu.wait_dma2 semaphore(%run_scoped3A : memref<!tpu.dma_semaphore, #tpu.memory_space<semaphore_mem>>) src(%dma_wait3A_107 : memref<128x128xf32, #tpu.memory_space<hbm>>) dst(%dma_wait3A_104 : memref<128x128xf32, #tpu.memory_space<vmem_shared>>)
        tpu.yield
      }) : () -> ()
      "tpu.region"() ({
        %run_scoped3A = tpu.sem_alloc : memref<!tpu.dma_semaphore, #tpu.memory_space<semaphore_mem>>
        %dma_start3A_96 = arith.constant 9608 : i32
        %dma_start3A_97 = arith.constant 0 : i32
        %dma_start3A_98 = tpu.memref_slice %arg16[%dma_start3A_96, %dma_start3A_97] : memref<10112x128xf32, #tpu.memory_space<vmem_shared>> -> memref<128x128xf32, #tpu.memory_space<vmem_shared>>
        %dma_start3A_99 = arith.constant 9608 : i32
        %dma_start3A_100 = arith.constant 0 : i32
        %dma_start3A_101 = tpu.memref_slice %arg4[%dma_start3A_99, %dma_start3A_100] : memref<10000x128xf32, #tpu.memory_space<hbm>> -> memref<128x128xf32, #tpu.memory_space<hbm>>
        tpu.enqueue_dma source(%dma_start3A_101 : memref<128x128xf32, #tpu.memory_space<hbm>>) target(%dma_start3A_98 : memref<128x128xf32, #tpu.memory_space<vmem_shared>>) target_semaphore(%run_scoped3A : memref<!tpu.dma_semaphore, #tpu.memory_space<semaphore_mem>>)
        %dma_wait3A_102 = arith.constant 9608 : i32
        %dma_wait3A_103 = arith.constant 0 : i32
        %dma_wait3A_104 = tpu.memref_slice %arg16[%dma_wait3A_102, %dma_wait3A_103] : memref<10112x128xf32, #tpu.memory_space<vmem_shared>> -> memref<128x128xf32, #tpu.memory_space<vmem_shared>>
        %dma_wait3A_105 = arith.constant 9608 : i32
        %dma_wait3A_106 = arith.constant 0 : i32
        %dma_wait3A_107 = tpu.memref_slice %arg4[%dma_wait3A_105, %dma_wait3A_106] : memref<10000x128xf32, #tpu.memory_space<hbm>> -> memref<128x128xf32, #tpu.memory_space<hbm>>
        tpu.wait_dma2 semaphore(%run_scoped3A : memref<!tpu.dma_semaphore, #tpu.memory_space<semaphore_mem>>) src(%dma_wait3A_107 : memref<128x128xf32, #tpu.memory_space<hbm>>) dst(%dma_wait3A_104 : memref<128x128xf32, #tpu.memory_space<vmem_shared>>)
        tpu.yield
      }) : () -> ()
      "tpu.region"() ({
        %run_scoped3A = tpu.sem_alloc : memref<!tpu.dma_semaphore, #tpu.memory_space<semaphore_mem>>
        %dma_start3A_96 = arith.constant 9736 : i32
        %dma_start3A_97 = arith.constant 0 : i32
        %dma_start3A_98 = tpu.memref_slice %arg16[%dma_start3A_96, %dma_start3A_97] : memref<10112x128xf32, #tpu.memory_space<vmem_shared>> -> memref<128x128xf32, #tpu.memory_space<vmem_shared>>
        %dma_start3A_99 = arith.constant 9736 : i32
        %dma_start3A_100 = arith.constant 0 : i32
        %dma_start3A_101 = tpu.memref_slice %arg4[%dma_start3A_99, %dma_start3A_100] : memref<10000x128xf32, #tpu.memory_space<hbm>> -> memref<128x128xf32, #tpu.memory_space<hbm>>
        tpu.enqueue_dma source(%dma_start3A_101 : memref<128x128xf32, #tpu.memory_space<hbm>>) target(%dma_start3A_98 : memref<128x128xf32, #tpu.memory_space<vmem_shared>>) target_semaphore(%run_scoped3A : memref<!tpu.dma_semaphore, #tpu.memory_space<semaphore_mem>>)
        %dma_wait3A_102 = arith.constant 9736 : i32
        %dma_wait3A_103 = arith.constant 0 : i32
        %dma_wait3A_104 = tpu.memref_slice %arg16[%dma_wait3A_102, %dma_wait3A_103] : memref<10112x128xf32, #tpu.memory_space<vmem_shared>> -> memref<128x128xf32, #tpu.memory_space<vmem_shared>>
        %dma_wait3A_105 = arith.constant 9736 : i32
        %dma_wait3A_106 = arith.constant 0 : i32
        %dma_wait3A_107 = tpu.memref_slice %arg4[%dma_wait3A_105, %dma_wait3A_106] : memref<10000x128xf32, #tpu.memory_space<hbm>> -> memref<128x128xf32, #tpu.memory_space<hbm>>
        tpu.wait_dma2 semaphore(%run_scoped3A : memref<!tpu.dma_semaphore, #tpu.memory_space<semaphore_mem>>) src(%dma_wait3A_107 : memref<128x128xf32, #tpu.memory_space<hbm>>) dst(%dma_wait3A_104 : memref<128x128xf32, #tpu.memory_space<vmem_shared>>)
        tpu.yield
      }) : () -> ()
      "tpu.region"() ({
        %run_scoped3A = tpu.sem_alloc : memref<!tpu.dma_semaphore, #tpu.memory_space<semaphore_mem>>
        %dma_start3A_96 = arith.constant 9864 : i32
        %dma_start3A_97 = arith.constant 0 : i32
        %dma_start3A_98 = tpu.memref_slice %arg16[%dma_start3A_96, %dma_start3A_97] : memref<10112x128xf32, #tpu.memory_space<vmem_shared>> -> memref<128x128xf32, #tpu.memory_space<vmem_shared>>
        %dma_start3A_99 = arith.constant 9864 : i32
        %dma_start3A_100 = arith.constant 0 : i32
        %dma_start3A_101 = tpu.memref_slice %arg4[%dma_start3A_99, %dma_start3A_100] : memref<10000x128xf32, #tpu.memory_space<hbm>> -> memref<128x128xf32, #tpu.memory_space<hbm>>
        tpu.enqueue_dma source(%dma_start3A_101 : memref<128x128xf32, #tpu.memory_space<hbm>>) target(%dma_start3A_98 : memref<128x128xf32, #tpu.memory_space<vmem_shared>>) target_semaphore(%run_scoped3A : memref<!tpu.dma_semaphore, #tpu.memory_space<semaphore_mem>>)
        %dma_wait3A_102 = arith.constant 9864 : i32
        %dma_wait3A_103 = arith.constant 0 : i32
        %dma_wait3A_104 = tpu.memref_slice %arg16[%dma_wait3A_102, %dma_wait3A_103] : memref<10112x128xf32, #tpu.memory_space<vmem_shared>> -> memref<128x128xf32, #tpu.memory_space<vmem_shared>>
        %dma_wait3A_105 = arith.constant 9864 : i32
        %dma_wait3A_106 = arith.constant 0 : i32
        %dma_wait3A_107 = tpu.memref_slice %arg4[%dma_wait3A_105, %dma_wait3A_106] : memref<10000x128xf32, #tpu.memory_space<hbm>> -> memref<128x128xf32, #tpu.memory_space<hbm>>
        tpu.wait_dma2 semaphore(%run_scoped3A : memref<!tpu.dma_semaphore, #tpu.memory_space<semaphore_mem>>) src(%dma_wait3A_107 : memref<128x128xf32, #tpu.memory_space<hbm>>) dst(%dma_wait3A_104 : memref<128x128xf32, #tpu.memory_space<vmem_shared>>)
        tpu.yield
      }) : () -> ()
      "tpu.region"() ({
        %run_scoped3A = tpu.sem_alloc : memref<!tpu.dma_semaphore, #tpu.memory_space<semaphore_mem>>
        %dma_start3A_96 = arith.constant 9992 : i32
        %dma_start3A_97 = arith.constant 0 : i32
        %dma_start3A_98 = tpu.memref_slice %arg16[%dma_start3A_96, %dma_start3A_97] : memref<10112x128xf32, #tpu.memory_space<vmem_shared>> -> memref<8x128xf32, #tpu.memory_space<vmem_shared>>
        %dma_start3A_99 = arith.constant 9992 : i32
        %dma_start3A_100 = arith.constant 0 : i32
        %dma_start3A_101 = tpu.memref_slice %arg4[%dma_start3A_99, %dma_start3A_100] : memref<10000x128xf32, #tpu.memory_space<hbm>> -> memref<8x128xf32, #tpu.memory_space<hbm>>
        tpu.enqueue_dma source(%dma_start3A_101 : memref<8x128xf32, #tpu.memory_space<hbm>>) target(%dma_start3A_98 : memref<8x128xf32, #tpu.memory_space<vmem_shared>>) target_semaphore(%run_scoped3A : memref<!tpu.dma_semaphore, #tpu.memory_space<semaphore_mem>>)
        %dma_wait3A_102 = arith.constant 9992 : i32
        %dma_wait3A_103 = arith.constant 0 : i32
        %dma_wait3A_104 = tpu.memref_slice %arg16[%dma_wait3A_102, %dma_wait3A_103] : memref<10112x128xf32, #tpu.memory_space<vmem_shared>> -> memref<8x128xf32, #tpu.memory_space<vmem_shared>>
        %dma_wait3A_105 = arith.constant 9992 : i32
        %dma_wait3A_106 = arith.constant 0 : i32
        %dma_wait3A_107 = tpu.memref_slice %arg4[%dma_wait3A_105, %dma_wait3A_106] : memref<10000x128xf32, #tpu.memory_space<hbm>> -> memref<8x128xf32, #tpu.memory_space<hbm>>
        tpu.wait_dma2 semaphore(%run_scoped3A : memref<!tpu.dma_semaphore, #tpu.memory_space<semaphore_mem>>) src(%dma_wait3A_107 : memref<8x128xf32, #tpu.memory_space<hbm>>) dst(%dma_wait3A_104 : memref<8x128xf32, #tpu.memory_space<vmem_shared>>)
        tpu.yield
      }) : () -> ()
      "tpu.region"() ({
        %run_scoped3A = tpu.sem_alloc : memref<!tpu.dma_semaphore, #tpu.memory_space<semaphore_mem>>
        %dma_start3A_96 = arith.constant 0 : i32
        %dma_start3A_97 = arith.constant 0 : i32
        %dma_start3A_98 = tpu.memref_slice %arg13[%dma_start3A_96, %dma_start3A_97] : memref<128x128xf32, #tpu.memory_space<vmem>> -> memref<112x128xf32, #tpu.memory_space<vmem>>
        %dma_start3A_99 = arith.constant 10000 : i32
        %dma_start3A_100 = arith.constant 0 : i32
        %dma_start3A_101 = tpu.memref_slice %arg16[%dma_start3A_99, %dma_start3A_100] : memref<10112x128xf32, #tpu.memory_space<vmem_shared>> -> memref<112x128xf32, #tpu.memory_space<vmem_shared>>
        %dma_start3A_102 = arith.constant 10000 : i32
        %dma_start3A_103 = arith.constant 0 : i32
        %dma_start3A_104 = tpu.memref_slice %arg16[%dma_start3A_102, %dma_start3A_103] : memref<10112x128xf32, #tpu.memory_space<vmem_shared>> -> memref<112x128xf32, #tpu.memory_space<vmem_shared>>
        %dma_start3A_105 = arith.constant 0 : i32
        %dma_start3A_106 = arith.constant 0 : i32
        %dma_start3A_107 = tpu.memref_slice %arg13[%dma_start3A_105, %dma_start3A_106] : memref<128x128xf32, #tpu.memory_space<vmem>> -> memref<112x128xf32, #tpu.memory_space<vmem>>
        tpu.enqueue_dma source(%dma_start3A_107 : memref<112x128xf32, #tpu.memory_space<vmem>>) target(%dma_start3A_104 : memref<112x128xf32, #tpu.memory_space<vmem_shared>>) target_semaphore(%run_scoped3A : memref<!tpu.dma_semaphore, #tpu.memory_space<semaphore_mem>>)
        %dma_wait3A_108 = arith.constant 0 : i32
        %dma_wait3A_109 = arith.constant 0 : i32
        %dma_wait3A_110 = tpu.memref_slice %arg13[%dma_wait3A_108, %dma_wait3A_109] : memref<128x128xf32, #tpu.memory_space<vmem>> -> memref<112x128xf32, #tpu.memory_space<vmem>>
        %dma_wait3A_111 = arith.constant 10000 : i32
        %dma_wait3A_112 = arith.constant 0 : i32
        %dma_wait3A_113 = tpu.memref_slice %arg16[%dma_wait3A_111, %dma_wait3A_112] : memref<10112x128xf32, #tpu.memory_space<vmem_shared>> -> memref<112x128xf32, #tpu.memory_space<vmem_shared>>
        %dma_wait3A_114 = arith.constant 10000 : i32
        %dma_wait3A_115 = arith.constant 0 : i32
        %dma_wait3A_116 = tpu.memref_slice %arg16[%dma_wait3A_114, %dma_wait3A_115] : memref<10112x128xf32, #tpu.memory_space<vmem_shared>> -> memref<112x128xf32, #tpu.memory_space<vmem_shared>>
        %dma_wait3A_117 = arith.constant 0 : i32
        %dma_wait3A_118 = arith.constant 0 : i32
        %dma_wait3A_119 = tpu.memref_slice %arg13[%dma_wait3A_117, %dma_wait3A_118] : memref<128x128xf32, #tpu.memory_space<vmem>> -> memref<112x128xf32, #tpu.memory_space<vmem>>
        tpu.wait_dma2 semaphore(%run_scoped3A : memref<!tpu.dma_semaphore, #tpu.memory_space<semaphore_mem>>) src(%dma_wait3A_119 : memref<112x128xf32, #tpu.memory_space<vmem>>) dst(%dma_wait3A_116 : memref<112x128xf32, #tpu.memory_space<vmem_shared>>)
        tpu.yield
      }) : () -> ()
    } else {
    }
    %barrier3A = arith.constant 0 : index
    tpu.barrier barrier_id(%barrier3A)
    %mul3A_22 = arith.constant 78 : i32
    %mul3A_23 = arith.muli %add3A, %mul3A_22 : i32
    %min3A = arith.constant 4 : i32
    %min3A_24 = arith.minsi %add3A, %min3A : i32
    %add3A_25 = arith.addi %mul3A_23, %min3A_24 : i32
    %lt3A_26 = arith.constant 4 : i32
    %lt3A_27 = arith.cmpi slt, %add3A, %lt3A_26 : i32
    %jit3A = arith.constant 1 : i32
    %jit3A_28 = arith.constant 0 : i32
    %select_n3A = arith.select %lt3A_27, %jit3A, %jit3A_28 : i32
    %add3A_29 = arith.constant 78 : i32
    %add3A_30 = arith.addi %add3A_29, %select_n3A : i32
    %add3A_31 = arith.constant 0 : i32
    %add3A_32 = arith.addi %add3A_25, %add3A_31 : i32
    %mul3A_33 = arith.constant 128 : i32
    %mul3A_34 = arith.muli %add3A_32, %mul3A_33 : i32
    %dma_start3A = tpu.memref_slice %arg2[%mul3A_34] : memref<320000xi32, #tpu.memory_space<hbm>> -> memref<128xi32, #tpu.memory_space<hbm>>
    %dma_start3A_35 = tpu.memref_slice %arg2[%mul3A_34] : memref<320000xi32, #tpu.memory_space<hbm>> -> memref<128xi32, #tpu.memory_space<hbm>>
    tpu.enqueue_dma source(%dma_start3A_35 : memref<128xi32, #tpu.memory_space<hbm>>) target(%arg7 : memref<128xi32, #tpu.memory_space<vmem>>) target_semaphore(%arg17 : memref<!tpu.dma_semaphore, #tpu.memory_space<semaphore_mem>>)
    %dma_start3A_36 = tpu.memref_slice %arg3[%mul3A_34] : memref<320000xi32, #tpu.memory_space<hbm>> -> memref<128xi32, #tpu.memory_space<hbm>>
    %dma_start3A_37 = tpu.memref_slice %arg3[%mul3A_34] : memref<320000xi32, #tpu.memory_space<hbm>> -> memref<128xi32, #tpu.memory_space<hbm>>
    tpu.enqueue_dma source(%dma_start3A_37 : memref<128xi32, #tpu.memory_space<hbm>>) target(%arg10 : memref<128xi32, #tpu.memory_space<vmem>>) target_semaphore(%arg17 : memref<!tpu.dma_semaphore, #tpu.memory_space<semaphore_mem>>)
    %add3A_38 = arith.constant 1 : i32
    %add3A_39 = arith.addi %add3A_25, %add3A_38 : i32
    %mul3A_40 = arith.constant 128 : i32
    %mul3A_41 = arith.muli %add3A_39, %mul3A_40 : i32
    %dma_start3A_42 = tpu.memref_slice %arg2[%mul3A_41] : memref<320000xi32, #tpu.memory_space<hbm>> -> memref<128xi32, #tpu.memory_space<hbm>>
    %dma_start3A_43 = tpu.memref_slice %arg2[%mul3A_41] : memref<320000xi32, #tpu.memory_space<hbm>> -> memref<128xi32, #tpu.memory_space<hbm>>
    tpu.enqueue_dma source(%dma_start3A_43 : memref<128xi32, #tpu.memory_space<hbm>>) target(%arg8 : memref<128xi32, #tpu.memory_space<vmem>>) target_semaphore(%arg18 : memref<!tpu.dma_semaphore, #tpu.memory_space<semaphore_mem>>)
    %dma_start3A_44 = tpu.memref_slice %arg3[%mul3A_41] : memref<320000xi32, #tpu.memory_space<hbm>> -> memref<128xi32, #tpu.memory_space<hbm>>
    %dma_start3A_45 = tpu.memref_slice %arg3[%mul3A_41] : memref<320000xi32, #tpu.memory_space<hbm>> -> memref<128xi32, #tpu.memory_space<hbm>>
    tpu.enqueue_dma source(%dma_start3A_45 : memref<128xi32, #tpu.memory_space<hbm>>) target(%arg11 : memref<128xi32, #tpu.memory_space<vmem>>) target_semaphore(%arg18 : memref<!tpu.dma_semaphore, #tpu.memory_space<semaphore_mem>>)
    %add3A_46 = arith.constant 2 : i32
    %add3A_47 = arith.addi %add3A_25, %add3A_46 : i32
    %mul3A_48 = arith.constant 128 : i32
    %mul3A_49 = arith.muli %add3A_47, %mul3A_48 : i32
    %dma_start3A_50 = tpu.memref_slice %arg2[%mul3A_49] : memref<320000xi32, #tpu.memory_space<hbm>> -> memref<128xi32, #tpu.memory_space<hbm>>
    %dma_start3A_51 = tpu.memref_slice %arg2[%mul3A_49] : memref<320000xi32, #tpu.memory_space<hbm>> -> memref<128xi32, #tpu.memory_space<hbm>>
    tpu.enqueue_dma source(%dma_start3A_51 : memref<128xi32, #tpu.memory_space<hbm>>) target(%arg9 : memref<128xi32, #tpu.memory_space<vmem>>) target_semaphore(%arg19 : memref<!tpu.dma_semaphore, #tpu.memory_space<semaphore_mem>>)
    %dma_start3A_52 = tpu.memref_slice %arg3[%mul3A_49] : memref<320000xi32, #tpu.memory_space<hbm>> -> memref<128xi32, #tpu.memory_space<hbm>>
    %dma_start3A_53 = tpu.memref_slice %arg3[%mul3A_49] : memref<320000xi32, #tpu.memory_space<hbm>> -> memref<128xi32, #tpu.memory_space<hbm>>
    tpu.enqueue_dma source(%dma_start3A_53 : memref<128xi32, #tpu.memory_space<hbm>>) target(%arg12 : memref<128xi32, #tpu.memory_space<vmem>>) target_semaphore(%arg19 : memref<!tpu.dma_semaphore, #tpu.memory_space<semaphore_mem>>)
    %dma_wait3A = arith.constant 0 : i32
    %dma_wait3A_54 = tpu.memref_slice %arg2[%dma_wait3A] : memref<320000xi32, #tpu.memory_space<hbm>> -> memref<128xi32, #tpu.memory_space<hbm>>
    %dma_wait3A_55 = arith.constant 0 : i32
    %dma_wait3A_56 = tpu.memref_slice %arg2[%dma_wait3A_55] : memref<320000xi32, #tpu.memory_space<hbm>> -> memref<128xi32, #tpu.memory_space<hbm>>
    tpu.wait_dma2 semaphore(%arg17 : memref<!tpu.dma_semaphore, #tpu.memory_space<semaphore_mem>>) src(%dma_wait3A_56 : memref<128xi32, #tpu.memory_space<hbm>>) dst(%arg7 : memref<128xi32, #tpu.memory_space<vmem>>)
    %dma_wait3A_57 = arith.constant 0 : i32
    %dma_wait3A_58 = tpu.memref_slice %arg3[%dma_wait3A_57] : memref<320000xi32, #tpu.memory_space<hbm>> -> memref<128xi32, #tpu.memory_space<hbm>>
    %dma_wait3A_59 = arith.constant 0 : i32
    %dma_wait3A_60 = tpu.memref_slice %arg3[%dma_wait3A_59] : memref<320000xi32, #tpu.memory_space<hbm>> -> memref<128xi32, #tpu.memory_space<hbm>>
    tpu.wait_dma2 semaphore(%arg17 : memref<!tpu.dma_semaphore, #tpu.memory_space<semaphore_mem>>) src(%dma_wait3A_60 : memref<128xi32, #tpu.memory_space<hbm>>) dst(%arg10 : memref<128xi32, #tpu.memory_space<vmem>>)
    %dma_start3A_61 = arith.constant 0 : i32
    %dma_start3A_62 = arith.constant 0 : i32
    %dma_start3A_63 = tpu.memref_slice %arg4[%dma_start3A_61, %dma_start3A_62] : memref<10000x128xf32, #tpu.memory_space<hbm>> -> memref<10000x128xf32, #tpu.memory_space<hbm>>
    tpu.enqueue_indirect_dma source(%dma_start3A_63 : memref<10000x128xf32, #tpu.memory_space<hbm>>) target(%arg13 : memref<128x128xf32, #tpu.memory_space<vmem>>) offsets(%arg7 : memref<128xi32, #tpu.memory_space<vmem>>) semaphore(%arg20 : memref<!tpu.dma_semaphore, #tpu.memory_space<semaphore_mem>>)
    %dma_wait3A_64 = arith.constant 0 : i32
    %dma_wait3A_65 = tpu.memref_slice %arg2[%dma_wait3A_64] : memref<320000xi32, #tpu.memory_space<hbm>> -> memref<128xi32, #tpu.memory_space<hbm>>
    %dma_wait3A_66 = arith.constant 0 : i32
    %dma_wait3A_67 = tpu.memref_slice %arg2[%dma_wait3A_66] : memref<320000xi32, #tpu.memory_space<hbm>> -> memref<128xi32, #tpu.memory_space<hbm>>
    tpu.wait_dma2 semaphore(%arg18 : memref<!tpu.dma_semaphore, #tpu.memory_space<semaphore_mem>>) src(%dma_wait3A_67 : memref<128xi32, #tpu.memory_space<hbm>>) dst(%arg8 : memref<128xi32, #tpu.memory_space<vmem>>)
    %dma_wait3A_68 = arith.constant 0 : i32
    %dma_wait3A_69 = tpu.memref_slice %arg3[%dma_wait3A_68] : memref<320000xi32, #tpu.memory_space<hbm>> -> memref<128xi32, #tpu.memory_space<hbm>>
    %dma_wait3A_70 = arith.constant 0 : i32
    %dma_wait3A_71 = tpu.memref_slice %arg3[%dma_wait3A_70] : memref<320000xi32, #tpu.memory_space<hbm>> -> memref<128xi32, #tpu.memory_space<hbm>>
    tpu.wait_dma2 semaphore(%arg18 : memref<!tpu.dma_semaphore, #tpu.memory_space<semaphore_mem>>) src(%dma_wait3A_71 : memref<128xi32, #tpu.memory_space<hbm>>) dst(%arg11 : memref<128xi32, #tpu.memory_space<vmem>>)
    %dma_start3A_72 = arith.constant 0 : i32
    %dma_start3A_73 = arith.constant 0 : i32
    %dma_start3A_74 = tpu.memref_slice %arg4[%dma_start3A_72, %dma_start3A_73] : memref<10000x128xf32, #tpu.memory_space<hbm>> -> memref<10000x128xf32, #tpu.memory_space<hbm>>
    tpu.enqueue_indirect_dma source(%dma_start3A_74 : memref<10000x128xf32, #tpu.memory_space<hbm>>) target(%arg14 : memref<128x128xf32, #tpu.memory_space<vmem>>) offsets(%arg8 : memref<128xi32, #tpu.memory_space<vmem>>) semaphore(%arg21 : memref<!tpu.dma_semaphore, #tpu.memory_space<semaphore_mem>>)
    %scan3A_75 = arith.constant 0 : i32
    %scan3A_76 = arith.constant 0 : i32
    %scan3A_77 = arith.constant 26 : i32
    %scan3A_78 = arith.addi %scan3A_76, %scan3A_77 : i32
    %scan3A_79 = arith.constant 1 : i32
    scf.for %scan3A_96 = %scan3A_76 to %scan3A_78 step %scan3A_79  : i32 {
      %mul3A_97 = arith.constant 3 : i32
      %mul3A_98 = arith.muli %mul3A_97, %scan3A_96 : i32
      %add3A_99 = arith.constant 0 : i32
      %add3A_100 = arith.addi %mul3A_98, %add3A_99 : i32
      %add3A_101 = arith.constant 3 : i32
      %add3A_102 = arith.addi %add3A_100, %add3A_101 : i32
      %sub3A = arith.constant 1 : i32
      %sub3A_103 = arith.subi %add3A_102, %sub3A : i32
      %lt3A_104 = arith.cmpi slt, %sub3A_103, %add3A_30 : i32
      %convert_element_type3A_105 = arith.extui %lt3A_104 : i1 to i32
      %cond3A_106 = arith.constant 0 : i32
      %cond3A_107 = arith.cmpi ne, %convert_element_type3A_105, %cond3A_106 : i32
      scf.if %cond3A_107 {
        %dma_wait3A_159 = arith.constant 0 : i32
        %dma_wait3A_160 = tpu.memref_slice %arg2[%dma_wait3A_159] : memref<320000xi32, #tpu.memory_space<hbm>> -> memref<128xi32, #tpu.memory_space<hbm>>
        %dma_wait3A_161 = arith.constant 0 : i32
        %dma_wait3A_162 = tpu.memref_slice %arg2[%dma_wait3A_161] : memref<320000xi32, #tpu.memory_space<hbm>> -> memref<128xi32, #tpu.memory_space<hbm>>
        tpu.wait_dma2 semaphore(%arg19 : memref<!tpu.dma_semaphore, #tpu.memory_space<semaphore_mem>>) src(%dma_wait3A_162 : memref<128xi32, #tpu.memory_space<hbm>>) dst(%arg9 : memref<128xi32, #tpu.memory_space<vmem>>)
        %dma_wait3A_163 = arith.constant 0 : i32
        %dma_wait3A_164 = tpu.memref_slice %arg3[%dma_wait3A_163] : memref<320000xi32, #tpu.memory_space<hbm>> -> memref<128xi32, #tpu.memory_space<hbm>>
        %dma_wait3A_165 = arith.constant 0 : i32
        %dma_wait3A_166 = tpu.memref_slice %arg3[%dma_wait3A_165] : memref<320000xi32, #tpu.memory_space<hbm>> -> memref<128xi32, #tpu.memory_space<hbm>>
        tpu.wait_dma2 semaphore(%arg19 : memref<!tpu.dma_semaphore, #tpu.memory_space<semaphore_mem>>) src(%dma_wait3A_166 : memref<128xi32, #tpu.memory_space<hbm>>) dst(%arg12 : memref<128xi32, #tpu.memory_space<vmem>>)
        %dma_start3A_167 = arith.constant 0 : i32
        %dma_start3A_168 = arith.constant 0 : i32
        %dma_start3A_169 = tpu.memref_slice %arg4[%dma_start3A_167, %dma_start3A_168] : memref<10000x128xf32, #tpu.memory_space<hbm>> -> memref<10000x128xf32, #tpu.memory_space<hbm>>
        tpu.enqueue_indirect_dma source(%dma_start3A_169 : memref<10000x128xf32, #tpu.memory_space<hbm>>) target(%arg15 : memref<128x128xf32, #tpu.memory_space<vmem>>) offsets(%arg9 : memref<128xi32, #tpu.memory_space<vmem>>) semaphore(%arg22 : memref<!tpu.dma_semaphore, #tpu.memory_space<semaphore_mem>>)
      } else {
      }
      %dma_wait3A_108 = arith.constant 0 : i32
      %dma_wait3A_109 = arith.constant 0 : i32
      %dma_wait3A_110 = tpu.memref_slice %arg4[%dma_wait3A_108, %dma_wait3A_109] : memref<10000x128xf32, #tpu.memory_space<hbm>> -> memref<10000x128xf32, #tpu.memory_space<hbm>>
      tpu.wait_indirect_dma semaphore(%arg20 : memref<!tpu.dma_semaphore, #tpu.memory_space<semaphore_mem>>) src(%dma_wait3A_110 : memref<10000x128xf32, #tpu.memory_space<hbm>>) dst(%arg13 : memref<128x128xf32, #tpu.memory_space<vmem>>)
      "tpu.region"() ({
        %run_scoped3A = tpu.sem_alloc : memref<!tpu.dma_semaphore, #tpu.memory_space<semaphore_mem>>
        %dma_start3A_159 = arith.constant 0 : i32
        %dma_start3A_160 = arith.constant 0 : i32
        %dma_start3A_161 = tpu.memref_slice %arg16[%dma_start3A_159, %dma_start3A_160] : memref<10112x128xf32, #tpu.memory_space<vmem_shared>> -> memref<10112x128xf32, #tpu.memory_space<vmem_shared>>
        tpu.enqueue_indirect_dma source(%arg13 : memref<128x128xf32, #tpu.memory_space<vmem>>) target(%dma_start3A_161 : memref<10112x128xf32, #tpu.memory_space<vmem_shared>>) offsets(%arg10 : memref<128xi32, #tpu.memory_space<vmem>>) semaphore(%run_scoped3A : memref<!tpu.dma_semaphore, #tpu.memory_space<semaphore_mem>>) {add = true}
        %dma_wait3A_162 = arith.constant 0 : i32
        %dma_wait3A_163 = arith.constant 0 : i32
        %dma_wait3A_164 = tpu.memref_slice %arg16[%dma_wait3A_162, %dma_wait3A_163] : memref<10112x128xf32, #tpu.memory_space<vmem_shared>> -> memref<10112x128xf32, #tpu.memory_space<vmem_shared>>
        tpu.wait_indirect_dma semaphore(%run_scoped3A : memref<!tpu.dma_semaphore, #tpu.memory_space<semaphore_mem>>) src(%arg13 : memref<128x128xf32, #tpu.memory_space<vmem>>) dst(%dma_wait3A_164 : memref<10112x128xf32, #tpu.memory_space<vmem_shared>>)
        tpu.yield
      }) : () -> ()
      %add3A_111 = arith.constant 3 : i32
      %add3A_112 = arith.addi %add3A_100, %add3A_111 : i32
      %lt3A_113 = arith.cmpi slt, %add3A_112, %add3A_30 : i32
      %convert_element_type3A_114 = arith.extui %lt3A_113 : i1 to i32
      %cond3A_115 = arith.constant 0 : i32
      %cond3A_116 = arith.cmpi ne, %convert_element_type3A_114, %cond3A_115 : i32
      scf.if %cond3A_116 {
        %add3A_159 = arith.constant 3 : i32
        %add3A_160 = arith.addi %add3A_100, %add3A_159 : i32
        %add3A_161 = arith.addi %add3A_25, %add3A_160 : i32
        %mul3A_162 = arith.constant 128 : i32
        %mul3A_163 = arith.muli %add3A_161, %mul3A_162 : i32
        %dma_start3A_164 = tpu.memref_slice %arg2[%mul3A_163] : memref<320000xi32, #tpu.memory_space<hbm>> -> memref<128xi32, #tpu.memory_space<hbm>>
        %dma_start3A_165 = tpu.memref_slice %arg2[%mul3A_163] : memref<320000xi32, #tpu.memory_space<hbm>> -> memref<128xi32, #tpu.memory_space<hbm>>
        tpu.enqueue_dma source(%dma_start3A_165 : memref<128xi32, #tpu.memory_space<hbm>>) target(%arg7 : memref<128xi32, #tpu.memory_space<vmem>>) target_semaphore(%arg17 : memref<!tpu.dma_semaphore, #tpu.memory_space<semaphore_mem>>)
        %dma_start3A_166 = tpu.memref_slice %arg3[%mul3A_163] : memref<320000xi32, #tpu.memory_space<hbm>> -> memref<128xi32, #tpu.memory_space<hbm>>
        %dma_start3A_167 = tpu.memref_slice %arg3[%mul3A_163] : memref<320000xi32, #tpu.memory_space<hbm>> -> memref<128xi32, #tpu.memory_space<hbm>>
        tpu.enqueue_dma source(%dma_start3A_167 : memref<128xi32, #tpu.memory_space<hbm>>) target(%arg10 : memref<128xi32, #tpu.memory_space<vmem>>) target_semaphore(%arg17 : memref<!tpu.dma_semaphore, #tpu.memory_space<semaphore_mem>>)
      } else {
      }
      %mul3A_117 = arith.constant 3 : i32
      %mul3A_118 = arith.muli %mul3A_117, %scan3A_96 : i32
      %add3A_119 = arith.constant 1 : i32
      %add3A_120 = arith.addi %mul3A_118, %add3A_119 : i32
      %add3A_121 = arith.constant 3 : i32
      %add3A_122 = arith.addi %add3A_120, %add3A_121 : i32
      %sub3A_123 = arith.constant 1 : i32
      %sub3A_124 = arith.subi %add3A_122, %sub3A_123 : i32
      %lt3A_125 = arith.cmpi slt, %sub3A_124, %add3A_30 : i32
      %convert_element_type3A_126 = arith.extui %lt3A_125 : i1 to i32
      %cond3A_127 = arith.constant 0 : i32
      %cond3A_128 = arith.cmpi ne, %convert_element_type3A_126, %cond3A_127 : i32
      scf.if %cond3A_128 {
        %dma_wait3A_159 = arith.constant 0 : i32
        %dma_wait3A_160 = tpu.memref_slice %arg2[%dma_wait3A_159] : memref<320000xi32, #tpu.memory_space<hbm>> -> memref<128xi32, #tpu.memory_space<hbm>>
        %dma_wait3A_161 = arith.constant 0 : i32
        %dma_wait3A_162 = tpu.memref_slice %arg2[%dma_wait3A_161] : memref<320000xi32, #tpu.memory_space<hbm>> -> memref<128xi32, #tpu.memory_space<hbm>>
        tpu.wait_dma2 semaphore(%arg17 : memref<!tpu.dma_semaphore, #tpu.memory_space<semaphore_mem>>) src(%dma_wait3A_162 : memref<128xi32, #tpu.memory_space<hbm>>) dst(%arg7 : memref<128xi32, #tpu.memory_space<vmem>>)
        %dma_wait3A_163 = arith.constant 0 : i32
        %dma_wait3A_164 = tpu.memref_slice %arg3[%dma_wait3A_163] : memref<320000xi32, #tpu.memory_space<hbm>> -> memref<128xi32, #tpu.memory_space<hbm>>
        %dma_wait3A_165 = arith.constant 0 : i32
        %dma_wait3A_166 = tpu.memref_slice %arg3[%dma_wait3A_165] : memref<320000xi32, #tpu.memory_space<hbm>> -> memref<128xi32, #tpu.memory_space<hbm>>
        tpu.wait_dma2 semaphore(%arg17 : memref<!tpu.dma_semaphore, #tpu.memory_space<semaphore_mem>>) src(%dma_wait3A_166 : memref<128xi32, #tpu.memory_space<hbm>>) dst(%arg10 : memref<128xi32, #tpu.memory_space<vmem>>)
        %dma_start3A_167 = arith.constant 0 : i32
        %dma_start3A_168 = arith.constant 0 : i32
        %dma_start3A_169 = tpu.memref_slice %arg4[%dma_start3A_167, %dma_start3A_168] : memref<10000x128xf32, #tpu.memory_space<hbm>> -> memref<10000x128xf32, #tpu.memory_space<hbm>>
        tpu.enqueue_indirect_dma source(%dma_start3A_169 : memref<10000x128xf32, #tpu.memory_space<hbm>>) target(%arg13 : memref<128x128xf32, #tpu.memory_space<vmem>>) offsets(%arg7 : memref<128xi32, #tpu.memory_space<vmem>>) semaphore(%arg20 : memref<!tpu.dma_semaphore, #tpu.memory_space<semaphore_mem>>)
      } else {
      }
      %dma_wait3A_129 = arith.constant 0 : i32
      %dma_wait3A_130 = arith.constant 0 : i32
      %dma_wait3A_131 = tpu.memref_slice %arg4[%dma_wait3A_129, %dma_wait3A_130] : memref<10000x128xf32, #tpu.memory_space<hbm>> -> memref<10000x128xf32, #tpu.memory_space<hbm>>
      tpu.wait_indirect_dma semaphore(%arg21 : memref<!tpu.dma_semaphore, #tpu.memory_space<semaphore_mem>>) src(%dma_wait3A_131 : memref<10000x128xf32, #tpu.memory_space<hbm>>) dst(%arg14 : memref<128x128xf32, #tpu.memory_space<vmem>>)
      "tpu.region"() ({
        %run_scoped3A = tpu.sem_alloc : memref<!tpu.dma_semaphore, #tpu.memory_space<semaphore_mem>>
        %dma_start3A_159 = arith.constant 0 : i32
        %dma_start3A_160 = arith.constant 0 : i32
        %dma_start3A_161 = tpu.memref_slice %arg16[%dma_start3A_159, %dma_start3A_160] : memref<10112x128xf32, #tpu.memory_space<vmem_shared>> -> memref<10112x128xf32, #tpu.memory_space<vmem_shared>>
        tpu.enqueue_indirect_dma source(%arg14 : memref<128x128xf32, #tpu.memory_space<vmem>>) target(%dma_start3A_161 : memref<10112x128xf32, #tpu.memory_space<vmem_shared>>) offsets(%arg11 : memref<128xi32, #tpu.memory_space<vmem>>) semaphore(%run_scoped3A : memref<!tpu.dma_semaphore, #tpu.memory_space<semaphore_mem>>) {add = true}
        %dma_wait3A_162 = arith.constant 0 : i32
        %dma_wait3A_163 = arith.constant 0 : i32
        %dma_wait3A_164 = tpu.memref_slice %arg16[%dma_wait3A_162, %dma_wait3A_163] : memref<10112x128xf32, #tpu.memory_space<vmem_shared>> -> memref<10112x128xf32, #tpu.memory_space<vmem_shared>>
        tpu.wait_indirect_dma semaphore(%run_scoped3A : memref<!tpu.dma_semaphore, #tpu.memory_space<semaphore_mem>>) src(%arg14 : memref<128x128xf32, #tpu.memory_space<vmem>>) dst(%dma_wait3A_164 : memref<10112x128xf32, #tpu.memory_space<vmem_shared>>)
        tpu.yield
      }) : () -> ()
      %add3A_132 = arith.constant 3 : i32
      %add3A_133 = arith.addi %add3A_120, %add3A_132 : i32
      %lt3A_134 = arith.cmpi slt, %add3A_133, %add3A_30 : i32
      %convert_element_type3A_135 = arith.extui %lt3A_134 : i1 to i32
      %cond3A_136 = arith.constant 0 : i32
      %cond3A_137 = arith.cmpi ne, %convert_element_type3A_135, %cond3A_136 : i32
      scf.if %cond3A_137 {
        %add3A_159 = arith.constant 3 : i32
        %add3A_160 = arith.addi %add3A_120, %add3A_159 : i32
        %add3A_161 = arith.addi %add3A_25, %add3A_160 : i32
        %mul3A_162 = arith.constant 128 : i32
        %mul3A_163 = arith.muli %add3A_161, %mul3A_162 : i32
        %dma_start3A_164 = tpu.memref_slice %arg2[%mul3A_163] : memref<320000xi32, #tpu.memory_space<hbm>> -> memref<128xi32, #tpu.memory_space<hbm>>
        %dma_start3A_165 = tpu.memref_slice %arg2[%mul3A_163] : memref<320000xi32, #tpu.memory_space<hbm>> -> memref<128xi32, #tpu.memory_space<hbm>>
        tpu.enqueue_dma source(%dma_start3A_165 : memref<128xi32, #tpu.memory_space<hbm>>) target(%arg8 : memref<128xi32, #tpu.memory_space<vmem>>) target_semaphore(%arg18 : memref<!tpu.dma_semaphore, #tpu.memory_space<semaphore_mem>>)
        %dma_start3A_166 = tpu.memref_slice %arg3[%mul3A_163] : memref<320000xi32, #tpu.memory_space<hbm>> -> memref<128xi32, #tpu.memory_space<hbm>>
        %dma_start3A_167 = tpu.memref_slice %arg3[%mul3A_163] : memref<320000xi32, #tpu.memory_space<hbm>> -> memref<128xi32, #tpu.memory_space<hbm>>
        tpu.enqueue_dma source(%dma_start3A_167 : memref<128xi32, #tpu.memory_space<hbm>>) target(%arg11 : memref<128xi32, #tpu.memory_space<vmem>>) target_semaphore(%arg18 : memref<!tpu.dma_semaphore, #tpu.memory_space<semaphore_mem>>)
      } else {
      }
      %mul3A_138 = arith.constant 3 : i32
      %mul3A_139 = arith.muli %mul3A_138, %scan3A_96 : i32
      %add3A_140 = arith.constant 2 : i32
      %add3A_141 = arith.addi %mul3A_139, %add3A_140 : i32
      %add3A_142 = arith.constant 3 : i32
      %add3A_143 = arith.addi %add3A_141, %add3A_142 : i32
      %sub3A_144 = arith.constant 1 : i32
      %sub3A_145 = arith.subi %add3A_143, %sub3A_144 : i32
      %lt3A_146 = arith.cmpi slt, %sub3A_145, %add3A_30 : i32
      %convert_element_type3A_147 = arith.extui %lt3A_146 : i1 to i32
      %cond3A_148 = arith.constant 0 : i32
      %cond3A_149 = arith.cmpi ne, %convert_element_type3A_147, %cond3A_148 : i32
      scf.if %cond3A_149 {
        %dma_wait3A_159 = arith.constant 0 : i32
        %dma_wait3A_160 = tpu.memref_slice %arg2[%dma_wait3A_159] : memref<320000xi32, #tpu.memory_space<hbm>> -> memref<128xi32, #tpu.memory_space<hbm>>
        %dma_wait3A_161 = arith.constant 0 : i32
        %dma_wait3A_162 = tpu.memref_slice %arg2[%dma_wait3A_161] : memref<320000xi32, #tpu.memory_space<hbm>> -> memref<128xi32, #tpu.memory_space<hbm>>
        tpu.wait_dma2 semaphore(%arg18 : memref<!tpu.dma_semaphore, #tpu.memory_space<semaphore_mem>>) src(%dma_wait3A_162 : memref<128xi32, #tpu.memory_space<hbm>>) dst(%arg8 : memref<128xi32, #tpu.memory_space<vmem>>)
        %dma_wait3A_163 = arith.constant 0 : i32
        %dma_wait3A_164 = tpu.memref_slice %arg3[%dma_wait3A_163] : memref<320000xi32, #tpu.memory_space<hbm>> -> memref<128xi32, #tpu.memory_space<hbm>>
        %dma_wait3A_165 = arith.constant 0 : i32
        %dma_wait3A_166 = tpu.memref_slice %arg3[%dma_wait3A_165] : memref<320000xi32, #tpu.memory_space<hbm>> -> memref<128xi32, #tpu.memory_space<hbm>>
        tpu.wait_dma2 semaphore(%arg18 : memref<!tpu.dma_semaphore, #tpu.memory_space<semaphore_mem>>) src(%dma_wait3A_166 : memref<128xi32, #tpu.memory_space<hbm>>) dst(%arg11 : memref<128xi32, #tpu.memory_space<vmem>>)
        %dma_start3A_167 = arith.constant 0 : i32
        %dma_start3A_168 = arith.constant 0 : i32
        %dma_start3A_169 = tpu.memref_slice %arg4[%dma_start3A_167, %dma_start3A_168] : memref<10000x128xf32, #tpu.memory_space<hbm>> -> memref<10000x128xf32, #tpu.memory_space<hbm>>
        tpu.enqueue_indirect_dma source(%dma_start3A_169 : memref<10000x128xf32, #tpu.memory_space<hbm>>) target(%arg14 : memref<128x128xf32, #tpu.memory_space<vmem>>) offsets(%arg8 : memref<128xi32, #tpu.memory_space<vmem>>) semaphore(%arg21 : memref<!tpu.dma_semaphore, #tpu.memory_space<semaphore_mem>>)
      } else {
      }
      %dma_wait3A_150 = arith.constant 0 : i32
      %dma_wait3A_151 = arith.constant 0 : i32
      %dma_wait3A_152 = tpu.memref_slice %arg4[%dma_wait3A_150, %dma_wait3A_151] : memref<10000x128xf32, #tpu.memory_space<hbm>> -> memref<10000x128xf32, #tpu.memory_space<hbm>>
      tpu.wait_indirect_dma semaphore(%arg22 : memref<!tpu.dma_semaphore, #tpu.memory_space<semaphore_mem>>) src(%dma_wait3A_152 : memref<10000x128xf32, #tpu.memory_space<hbm>>) dst(%arg15 : memref<128x128xf32, #tpu.memory_space<vmem>>)
      "tpu.region"() ({
        %run_scoped3A = tpu.sem_alloc : memref<!tpu.dma_semaphore, #tpu.memory_space<semaphore_mem>>
        %dma_start3A_159 = arith.constant 0 : i32
        %dma_start3A_160 = arith.constant 0 : i32
        %dma_start3A_161 = tpu.memref_slice %arg16[%dma_start3A_159, %dma_start3A_160] : memref<10112x128xf32, #tpu.memory_space<vmem_shared>> -> memref<10112x128xf32, #tpu.memory_space<vmem_shared>>
        tpu.enqueue_indirect_dma source(%arg15 : memref<128x128xf32, #tpu.memory_space<vmem>>) target(%dma_start3A_161 : memref<10112x128xf32, #tpu.memory_space<vmem_shared>>) offsets(%arg12 : memref<128xi32, #tpu.memory_space<vmem>>) semaphore(%run_scoped3A : memref<!tpu.dma_semaphore, #tpu.memory_space<semaphore_mem>>) {add = true}
        %dma_wait3A_162 = arith.constant 0 : i32
        %dma_wait3A_163 = arith.constant 0 : i32
        %dma_wait3A_164 = tpu.memref_slice %arg16[%dma_wait3A_162, %dma_wait3A_163] : memref<10112x128xf32, #tpu.memory_space<vmem_shared>> -> memref<10112x128xf32, #tpu.memory_space<vmem_shared>>
        tpu.wait_indirect_dma semaphore(%run_scoped3A : memref<!tpu.dma_semaphore, #tpu.memory_space<semaphore_mem>>) src(%arg15 : memref<128x128xf32, #tpu.memory_space<vmem>>) dst(%dma_wait3A_164 : memref<10112x128xf32, #tpu.memory_space<vmem_shared>>)
        tpu.yield
      }) : () -> ()
      %add3A_153 = arith.constant 3 : i32
      %add3A_154 = arith.addi %add3A_141, %add3A_153 : i32
      %lt3A_155 = arith.cmpi slt, %add3A_154, %add3A_30 : i32
      %convert_element_type3A_156 = arith.extui %lt3A_155 : i1 to i32
      %cond3A_157 = arith.constant 0 : i32
      %cond3A_158 = arith.cmpi ne, %convert_element_type3A_156, %cond3A_157 : i32
      scf.if %cond3A_158 {
        %add3A_159 = arith.constant 3 : i32
        %add3A_160 = arith.addi %add3A_141, %add3A_159 : i32
        %add3A_161 = arith.addi %add3A_25, %add3A_160 : i32
        %mul3A_162 = arith.constant 128 : i32
        %mul3A_163 = arith.muli %add3A_161, %mul3A_162 : i32
        %dma_start3A_164 = tpu.memref_slice %arg2[%mul3A_163] : memref<320000xi32, #tpu.memory_space<hbm>> -> memref<128xi32, #tpu.memory_space<hbm>>
        %dma_start3A_165 = tpu.memref_slice %arg2[%mul3A_163] : memref<320000xi32, #tpu.memory_space<hbm>> -> memref<128xi32, #tpu.memory_space<hbm>>
        tpu.enqueue_dma source(%dma_start3A_165 : memref<128xi32, #tpu.memory_space<hbm>>) target(%arg9 : memref<128xi32, #tpu.memory_space<vmem>>) target_semaphore(%arg19 : memref<!tpu.dma_semaphore, #tpu.memory_space<semaphore_mem>>)
        %dma_start3A_166 = tpu.memref_slice %arg3[%mul3A_163] : memref<320000xi32, #tpu.memory_space<hbm>> -> memref<128xi32, #tpu.memory_space<hbm>>
        %dma_start3A_167 = tpu.memref_slice %arg3[%mul3A_163] : memref<320000xi32, #tpu.memory_space<hbm>> -> memref<128xi32, #tpu.memory_space<hbm>>
        tpu.enqueue_dma source(%dma_start3A_167 : memref<128xi32, #tpu.memory_space<hbm>>) target(%arg12 : memref<128xi32, #tpu.memory_space<vmem>>) target_semaphore(%arg19 : memref<!tpu.dma_semaphore, #tpu.memory_space<semaphore_mem>>)
      } else {
      }
    }
    %scan3A_80 = arith.constant 26 : i32
    %gt3A = arith.constant 78 : i32
    %gt3A_81 = arith.cmpi sgt, %add3A_30, %gt3A : i32
    %convert_element_type3A_82 = arith.extui %gt3A_81 : i1 to i32
    %cond3A_83 = arith.constant 0 : i32
    %cond3A_84 = arith.cmpi ne, %convert_element_type3A_82, %cond3A_83 : i32
    scf.if %cond3A_84 {
      %dma_wait3A_96 = arith.constant 0 : i32
      %dma_wait3A_97 = arith.constant 0 : i32
      %dma_wait3A_98 = tpu.memref_slice %arg4[%dma_wait3A_96, %dma_wait3A_97] : memref<10000x128xf32, #tpu.memory_space<hbm>> -> memref<10000x128xf32, #tpu.memory_space<hbm>>
      tpu.wait_indirect_dma semaphore(%arg20 : memref<!tpu.dma_semaphore, #tpu.memory_space<semaphore_mem>>) src(%dma_wait3A_98 : memref<10000x128xf32, #tpu.memory_space<hbm>>) dst(%arg13 : memref<128x128xf32, #tpu.memory_space<vmem>>)
      "tpu.region"() ({
        %run_scoped3A = tpu.sem_alloc : memref<!tpu.dma_semaphore, #tpu.memory_space<semaphore_mem>>
        %dma_start3A_99 = arith.constant 0 : i32
        %dma_start3A_100 = arith.constant 0 : i32
        %dma_start3A_101 = tpu.memref_slice %arg16[%dma_start3A_99, %dma_start3A_100] : memref<10112x128xf32, #tpu.memory_space<vmem_shared>> -> memref<10112x128xf32, #tpu.memory_space<vmem_shared>>
        tpu.enqueue_indirect_dma source(%arg13 : memref<128x128xf32, #tpu.memory_space<vmem>>) target(%dma_start3A_101 : memref<10112x128xf32, #tpu.memory_space<vmem_shared>>) offsets(%arg10 : memref<128xi32, #tpu.memory_space<vmem>>) semaphore(%run_scoped3A : memref<!tpu.dma_semaphore, #tpu.memory_space<semaphore_mem>>) {add = true}
        %dma_wait3A_102 = arith.constant 0 : i32
        %dma_wait3A_103 = arith.constant 0 : i32
        %dma_wait3A_104 = tpu.memref_slice %arg16[%dma_wait3A_102, %dma_wait3A_103] : memref<10112x128xf32, #tpu.memory_space<vmem_shared>> -> memref<10112x128xf32, #tpu.memory_space<vmem_shared>>
        tpu.wait_indirect_dma semaphore(%run_scoped3A : memref<!tpu.dma_semaphore, #tpu.memory_space<semaphore_mem>>) src(%arg13 : memref<128x128xf32, #tpu.memory_space<vmem>>) dst(%dma_wait3A_104 : memref<10112x128xf32, #tpu.memory_space<vmem_shared>>)
        tpu.yield
      }) : () -> ()
    } else {
    }
    %barrier3A_85 = arith.constant 0 : index
    tpu.barrier barrier_id(%barrier3A_85)
    %eq3A_86 = arith.constant 0 : i32
    %eq3A_87 = arith.cmpi eq, %arg0, %eq3A_86 : i32
    %convert_element_type3A_88 = arith.extui %eq3A_87 : i1 to i32
    %cond3A_89 = arith.constant 0 : i32
    %cond3A_90 = arith.cmpi ne, %convert_element_type3A_88, %cond3A_89 : i32
    scf.if %cond3A_90 {
      %lt3A_96 = arith.constant 15 : i32
      %lt3A_97 = arith.cmpi slt, %arg1, %lt3A_96 : i32
      %convert_element_type3A_98 = arith.extui %lt3A_97 : i1 to i32
      %cond3A_99 = arith.constant 0 : i32
      %cond3A_100 = arith.cmpi ne, %convert_element_type3A_98, %cond3A_99 : i32
      scf.if %cond3A_100 {
        %mul3A_106 = arith.constant 632 : i32
        %mul3A_107 = arith.muli %arg1, %mul3A_106 : i32
        %mul3A_108 = arith.constant 632 : i32
        %mul3A_109 = arith.muli %arg1, %mul3A_108 : i32
        "tpu.region"() ({
          %run_scoped3A = tpu.sem_alloc : memref<!tpu.dma_semaphore, #tpu.memory_space<semaphore_mem>>
          %dma_start3A_110 = arith.constant 0 : i32
          %dma_start3A_111 = tpu.memref_slice %arg5[%mul3A_109, %dma_start3A_110] : memref<10000x128xf32, #tpu.memory_space<hbm>> -> memref<632x128xf32, #tpu.memory_space<hbm>>
          %dma_start3A_112 = arith.constant 0 : i32
          %dma_start3A_113 = tpu.memref_slice %arg16[%mul3A_107, %dma_start3A_112] : memref<10112x128xf32, #tpu.memory_space<vmem_shared>> -> memref<632x128xf32, #tpu.memory_space<vmem_shared>>
          tpu.enqueue_dma source(%dma_start3A_113 : memref<632x128xf32, #tpu.memory_space<vmem_shared>>) target(%dma_start3A_111 : memref<632x128xf32, #tpu.memory_space<hbm>>) target_semaphore(%run_scoped3A : memref<!tpu.dma_semaphore, #tpu.memory_space<semaphore_mem>>)
          %dma_wait3A_114 = arith.constant 0 : i32
          %dma_wait3A_115 = tpu.memref_slice %arg5[%mul3A_109, %dma_wait3A_114] : memref<10000x128xf32, #tpu.memory_space<hbm>> -> memref<632x128xf32, #tpu.memory_space<hbm>>
          %dma_wait3A_116 = arith.constant 0 : i32
          %dma_wait3A_117 = tpu.memref_slice %arg16[%mul3A_107, %dma_wait3A_116] : memref<10112x128xf32, #tpu.memory_space<vmem_shared>> -> memref<632x128xf32, #tpu.memory_space<vmem_shared>>
          tpu.wait_dma2 semaphore(%run_scoped3A : memref<!tpu.dma_semaphore, #tpu.memory_space<semaphore_mem>>) src(%dma_wait3A_117 : memref<632x128xf32, #tpu.memory_space<vmem_shared>>) dst(%dma_wait3A_115 : memref<632x128xf32, #tpu.memory_space<hbm>>)
          tpu.yield
        }) : () -> ()
      } else {
      }
      %eq3A_101 = arith.constant 15 : i32
      %eq3A_102 = arith.cmpi eq, %arg1, %eq3A_101 : i32
      %convert_element_type3A_103 = arith.extui %eq3A_102 : i1 to i32
      %cond3A_104 = arith.constant 0 : i32
      %cond3A_105 = arith.cmpi ne, %convert_element_type3A_103, %cond3A_104 : i32
      scf.if %cond3A_105 {
        "tpu.region"() ({
          %run_scoped3A = tpu.sem_alloc : memref<!tpu.dma_semaphore, #tpu.memory_space<semaphore_mem>>
          %dma_start3A_106 = arith.constant 9480 : i32
          %dma_start3A_107 = arith.constant 0 : i32
          %dma_start3A_108 = tpu.memref_slice %arg5[%dma_start3A_106, %dma_start3A_107] : memref<10000x128xf32, #tpu.memory_space<hbm>> -> memref<520x128xf32, #tpu.memory_space<hbm>>
          %dma_start3A_109 = arith.constant 9480 : i32
          %dma_start3A_110 = arith.constant 0 : i32
          %dma_start3A_111 = tpu.memref_slice %arg16[%dma_start3A_109, %dma_start3A_110] : memref<10112x128xf32, #tpu.memory_space<vmem_shared>> -> memref<520x128xf32, #tpu.memory_space<vmem_shared>>
          tpu.enqueue_dma source(%dma_start3A_111 : memref<520x128xf32, #tpu.memory_space<vmem_shared>>) target(%dma_start3A_108 : memref<520x128xf32, #tpu.memory_space<hbm>>) target_semaphore(%run_scoped3A : memref<!tpu.dma_semaphore, #tpu.memory_space<semaphore_mem>>)
          %dma_wait3A_112 = arith.constant 9480 : i32
          %dma_wait3A_113 = arith.constant 0 : i32
          %dma_wait3A_114 = tpu.memref_slice %arg5[%dma_wait3A_112, %dma_wait3A_113] : memref<10000x128xf32, #tpu.memory_space<hbm>> -> memref<520x128xf32, #tpu.memory_space<hbm>>
          %dma_wait3A_115 = arith.constant 9480 : i32
          %dma_wait3A_116 = arith.constant 0 : i32
          %dma_wait3A_117 = tpu.memref_slice %arg16[%dma_wait3A_115, %dma_wait3A_116] : memref<10112x128xf32, #tpu.memory_space<vmem_shared>> -> memref<520x128xf32, #tpu.memory_space<vmem_shared>>
          tpu.wait_dma2 semaphore(%run_scoped3A : memref<!tpu.dma_semaphore, #tpu.memory_space<semaphore_mem>>) src(%dma_wait3A_117 : memref<520x128xf32, #tpu.memory_space<vmem_shared>>) dst(%dma_wait3A_114 : memref<520x128xf32, #tpu.memory_space<hbm>>)
          tpu.yield
        }) : () -> ()
      } else {
      }
    } else {
    }
    %eq3A_91 = arith.constant 1 : i32
    %eq3A_92 = arith.cmpi eq, %arg0, %eq3A_91 : i32
    %convert_element_type3A_93 = arith.extui %eq3A_92 : i1 to i32
    %cond3A_94 = arith.constant 0 : i32
    %cond3A_95 = arith.cmpi ne, %convert_element_type3A_93, %cond3A_94 : i32
    scf.if %cond3A_95 {
      %lt3A_96 = arith.constant 15 : i32
      %lt3A_97 = arith.cmpi slt, %arg1, %lt3A_96 : i32
      %convert_element_type3A_98 = arith.extui %lt3A_97 : i1 to i32
      %cond3A_99 = arith.constant 0 : i32
      %cond3A_100 = arith.cmpi ne, %convert_element_type3A_98, %cond3A_99 : i32
      scf.if %cond3A_100 {
        %mul3A_106 = arith.constant 632 : i32
        %mul3A_107 = arith.muli %arg1, %mul3A_106 : i32
        %mul3A_108 = arith.constant 632 : i32
        %mul3A_109 = arith.muli %arg1, %mul3A_108 : i32
        "tpu.region"() ({
          %run_scoped3A = tpu.sem_alloc : memref<!tpu.dma_semaphore, #tpu.memory_space<semaphore_mem>>
          %dma_start3A_110 = arith.constant 0 : i32
          %dma_start3A_111 = tpu.memref_slice %arg6[%mul3A_109, %dma_start3A_110] : memref<10000x128xf32, #tpu.memory_space<hbm>> -> memref<632x128xf32, #tpu.memory_space<hbm>>
          %dma_start3A_112 = arith.constant 0 : i32
          %dma_start3A_113 = tpu.memref_slice %arg16[%mul3A_107, %dma_start3A_112] : memref<10112x128xf32, #tpu.memory_space<vmem_shared>> -> memref<632x128xf32, #tpu.memory_space<vmem_shared>>
          tpu.enqueue_dma source(%dma_start3A_113 : memref<632x128xf32, #tpu.memory_space<vmem_shared>>) target(%dma_start3A_111 : memref<632x128xf32, #tpu.memory_space<hbm>>) target_semaphore(%run_scoped3A : memref<!tpu.dma_semaphore, #tpu.memory_space<semaphore_mem>>)
          %dma_wait3A_114 = arith.constant 0 : i32
          %dma_wait3A_115 = tpu.memref_slice %arg6[%mul3A_109, %dma_wait3A_114] : memref<10000x128xf32, #tpu.memory_space<hbm>> -> memref<632x128xf32, #tpu.memory_space<hbm>>
          %dma_wait3A_116 = arith.constant 0 : i32
          %dma_wait3A_117 = tpu.memref_slice %arg16[%mul3A_107, %dma_wait3A_116] : memref<10112x128xf32, #tpu.memory_space<vmem_shared>> -> memref<632x128xf32, #tpu.memory_space<vmem_shared>>
          tpu.wait_dma2 semaphore(%run_scoped3A : memref<!tpu.dma_semaphore, #tpu.memory_space<semaphore_mem>>) src(%dma_wait3A_117 : memref<632x128xf32, #tpu.memory_space<vmem_shared>>) dst(%dma_wait3A_115 : memref<632x128xf32, #tpu.memory_space<hbm>>)
          tpu.yield
        }) : () -> ()
      } else {
      }
      %eq3A_101 = arith.constant 15 : i32
      %eq3A_102 = arith.cmpi eq, %arg1, %eq3A_101 : i32
      %convert_element_type3A_103 = arith.extui %eq3A_102 : i1 to i32
      %cond3A_104 = arith.constant 0 : i32
      %cond3A_105 = arith.cmpi ne, %convert_element_type3A_103, %cond3A_104 : i32
      scf.if %cond3A_105 {
        "tpu.region"() ({
          %run_scoped3A = tpu.sem_alloc : memref<!tpu.dma_semaphore, #tpu.memory_space<semaphore_mem>>
          %dma_start3A_106 = arith.constant 9480 : i32
          %dma_start3A_107 = arith.constant 0 : i32
          %dma_start3A_108 = tpu.memref_slice %arg6[%dma_start3A_106, %dma_start3A_107] : memref<10000x128xf32, #tpu.memory_space<hbm>> -> memref<520x128xf32, #tpu.memory_space<hbm>>
          %dma_start3A_109 = arith.constant 9480 : i32
          %dma_start3A_110 = arith.constant 0 : i32
          %dma_start3A_111 = tpu.memref_slice %arg16[%dma_start3A_109, %dma_start3A_110] : memref<10112x128xf32, #tpu.memory_space<vmem_shared>> -> memref<520x128xf32, #tpu.memory_space<vmem_shared>>
          tpu.enqueue_dma source(%dma_start3A_111 : memref<520x128xf32, #tpu.memory_space<vmem_shared>>) target(%dma_start3A_108 : memref<520x128xf32, #tpu.memory_space<hbm>>) target_semaphore(%run_scoped3A : memref<!tpu.dma_semaphore, #tpu.memory_space<semaphore_mem>>)
          %dma_wait3A_112 = arith.constant 9480 : i32
          %dma_wait3A_113 = arith.constant 0 : i32
          %dma_wait3A_114 = tpu.memref_slice %arg6[%dma_wait3A_112, %dma_wait3A_113] : memref<10000x128xf32, #tpu.memory_space<hbm>> -> memref<520x128xf32, #tpu.memory_space<hbm>>
          %dma_wait3A_115 = arith.constant 9480 : i32
          %dma_wait3A_116 = arith.constant 0 : i32
          %dma_wait3A_117 = tpu.memref_slice %arg16[%dma_wait3A_115, %dma_wait3A_116] : memref<10112x128xf32, #tpu.memory_space<vmem_shared>> -> memref<520x128xf32, #tpu.memory_space<vmem_shared>>
          tpu.wait_dma2 semaphore(%run_scoped3A : memref<!tpu.dma_semaphore, #tpu.memory_space<semaphore_mem>>) src(%dma_wait3A_117 : memref<520x128xf32, #tpu.memory_space<vmem_shared>>) dst(%dma_wait3A_114 : memref<520x128xf32, #tpu.memory_space<hbm>>)
          tpu.yield
        }) : () -> ()
      } else {
      }
    } else {
    }
    return
  }
}

module attributes {stable_mosaic.version = 14 : i64} {
  func.func @_split_body(%arg0: memref<2x320000xi32, #tpu.memory_space<vmem>>, %arg1: memref<320000xi32, #tpu.memory_space<vmem>>, %arg2: memref<320000xi32, #tpu.memory_space<vmem>>) attributes {dimension_semantics = [], scalar_prefetch = 0 : i64, scratch_operands = 0 : i64, tpu.core_type = #tpu.core_type<tc>} {
    %get3A = arith.constant 0 : index
    %get3A_0 = arith.constant 0 : index
    %get3A_1 = vector.load %arg0[%get3A, %get3A_0] : memref<2x320000xi32, #tpu.memory_space<vmem>>, vector<1x320000xi32>
    %get3A_2 = vector.shape_cast %get3A_1 : vector<1x320000xi32> to vector<320000xi32>
    %swap3A = arith.constant 0 : index
    %swap3A_3 = vector.load %arg1[%swap3A] : memref<320000xi32, #tpu.memory_space<vmem>>, vector<320000xi32>
    tpu.vector_store %arg1[%swap3A], %get3A_2 {strides = array<i32>} : memref<320000xi32, #tpu.memory_space<vmem>>, vector<320000xi32>,
    %get3A_4 = arith.constant 1 : index
    %get3A_5 = arith.constant 0 : index
    %get3A_6 = vector.load %arg0[%get3A_4, %get3A_5] : memref<2x320000xi32, #tpu.memory_space<vmem>>, vector<1x320000xi32>
    %get3A_7 = vector.shape_cast %get3A_6 : vector<1x320000xi32> to vector<320000xi32>
    %swap3A_8 = arith.constant 0 : index
    %swap3A_9 = vector.load %arg2[%swap3A_8] : memref<320000xi32, #tpu.memory_space<vmem>>, vector<320000xi32>
    tpu.vector_store %arg2[%swap3A_8], %get3A_7 {strides = array<i32>} : memref<320000xi32, #tpu.memory_space<vmem>>, vector<320000xi32>,
    return
  }
}

module attributes {stable_mosaic.version = 14 : i64} {
  func.func @_tc_body(%arg0: i32, %arg1: i32, %arg2: memref<2000x128xf32, #tpu.memory_space<vmem>>, %arg3: memref<2000x128xf32, #tpu.memory_space<vmem>>, %arg4: memref<128x128xf32, #tpu.memory_space<vmem>>, %arg5: memref<128x128xf32, #tpu.memory_space<vmem>>, %arg6: memref<4x128xf32, #tpu.memory_space<vmem>>, %arg7: memref<2000x128xf32, #tpu.memory_space<vmem>>, %arg8: memref<10000x128xf32, #tpu.memory_space<vmem>>, %arg9: memref<8x128xf32, #tpu.memory_space<vmem>>) attributes {dimension_semantics = [#tpu.dimension_semantics<arbitrary>, #tpu.dimension_semantics<arbitrary>], iteration_bounds = array<i64: 2, 5>, scalar_prefetch = 0 : i64, scratch_operands = 2 : i64, tpu.core_type = #tpu.core_type<tc>, window_params = [{transform_indices = @transform_0, window_bounds = array<i64: 2000, 128>}, {transform_indices = @transform_1, window_bounds = array<i64: 2000, 128>}, {pipeline_mode = #tpu.pipeline_mode<synchronous>, transform_indices = @transform_2, window_bounds = array<i64: 128, 128>}, {pipeline_mode = #tpu.pipeline_mode<synchronous>, transform_indices = @transform_3, window_bounds = array<i64: 128, 128>}, {pipeline_mode = #tpu.pipeline_mode<synchronous>, transform_indices = @transform_4, window_bounds = array<i64: 4, 128>}, {transform_indices = @transform_5, window_bounds = array<i64: 2000, 128>}]} {
    %eq3A = arith.constant 0 : i32
    %eq3A_0 = arith.cmpi eq, %arg0, %eq3A : i32
    %convert_element_type3A = arith.extui %eq3A_0 : i1 to i32
    %cond3A = arith.constant 0 : i32
    %cond3A_1 = arith.cmpi ne, %convert_element_type3A, %cond3A : i32
    scf.if %cond3A_1 {
      %get3A = arith.constant 0 : index
      %get3A_7 = arith.constant 0 : index
      %get3A_8 = vector.load %arg2[%get3A, %get3A_7] : memref<2000x128xf32, #tpu.memory_space<vmem>>, vector<2000x128xf32>
      %get3A_9 = arith.constant 0 : index
      %get3A_10 = arith.constant 0 : index
      %get3A_11 = vector.load %arg3[%get3A_9, %get3A_10] : memref<2000x128xf32, #tpu.memory_space<vmem>>, vector<2000x128xf32>
      %add3A = arith.addf %get3A_8, %get3A_11 : vector<2000x128xf32>
      %get3A_12 = arith.constant 0 : index
      %get3A_13 = arith.constant 0 : index
      %get3A_14 = vector.load %arg4[%get3A_12, %get3A_13] : memref<128x128xf32, #tpu.memory_space<vmem>>, vector<128x128xf32>
      %dot_general3A = arith.constant dense<0.000000e+00> : vector<2000x128xf32>
      %dot_general3A_15 = tpu.matmul %add3A, %get3A_14, %dot_general3A {dimension_numbers = #tpu.dot_dimension_numbers<[1], [0], [0], [1], [0, 0, 1, 1], [], []>, transpose_lhs_hint = false} : vector<2000x128xf32>, vector<128x128xf32>, vector<2000x128xf32> -> vector<2000x128xf32>
      %get3A_16 = arith.constant 0 : index
      %get3A_17 = arith.constant 0 : index
      %get3A_18 = vector.load %arg6[%get3A_16, %get3A_17] : memref<4x128xf32, #tpu.memory_space<vmem>>, vector<1x128xf32>
      %add3A_19 = vector.broadcast %get3A_18 : vector<1x128xf32> to vector<2000x128xf32>
      %add3A_20 = arith.addf %dot_general3A_15, %add3A_19 : vector<2000x128xf32>
      %max3A = arith.constant 0.000000e+00 : f32
      %max3A_21 = vector.broadcast %max3A : f32 to vector<2000x128xf32>
      %max3A_22 = arith.maximumf %add3A_20, %max3A_21 : vector<2000x128xf32>
      %mul3A = arith.constant 2000 : i32
      %mul3A_23 = arith.muli %arg1, %mul3A : i32
      %swap3A = arith.index_cast %mul3A_23 : i32 to index
      %swap3A_24 = arith.constant 0 : index
      %swap3A_25 = vector.load %arg8[%swap3A, %swap3A_24] : memref<10000x128xf32, #tpu.memory_space<vmem>>, vector<2000x128xf32>
      tpu.vector_store %arg8[%swap3A, %swap3A_24], %max3A_22 {strides = array<i32>} : memref<10000x128xf32, #tpu.memory_space<vmem>>, vector<2000x128xf32>,
      %reduce_sum3A = arith.constant dense<0.000000e+00> : vector<128xf32>
      %reduce_sum3A_26 = vector.multi_reduction <add>, %max3A_22, %reduce_sum3A [0] : vector<2000x128xf32> to vector<128xf32>
      %broadcast_in_dim3A = vector.shape_cast %reduce_sum3A_26 : vector<128xf32> to vector<1x128xf32>
      %mul3A_27 = arith.mulf %max3A_22, %max3A_22 : vector<2000x128xf32>
      %reduce_sum3A_28 = arith.constant dense<0.000000e+00> : vector<128xf32>
      %reduce_sum3A_29 = vector.multi_reduction <add>, %mul3A_27, %reduce_sum3A_28 [0] : vector<2000x128xf32> to vector<128xf32>
      %broadcast_in_dim3A_30 = vector.shape_cast %reduce_sum3A_29 : vector<128xf32> to vector<1x128xf32>
      %eq3A_31 = arith.constant 0 : i32
      %eq3A_32 = arith.cmpi eq, %arg1, %eq3A_31 : i32
      %convert_element_type3A_33 = arith.extui %eq3A_32 : i1 to i32
      %cond3A_34 = arith.constant 0 : i32
      %cond3A_35 = arith.cmpi ne, %convert_element_type3A_33, %cond3A_34 : i32
      scf.if %cond3A_35 {
        %swap3A_40 = arith.constant 0 : index
        %swap3A_41 = arith.constant 0 : index
        %swap3A_42 = vector.load %arg9[%swap3A_40, %swap3A_41] : memref<8x128xf32, #tpu.memory_space<vmem>>, vector<1x128xf32>
        tpu.vector_store %arg9[%swap3A_40, %swap3A_41], %broadcast_in_dim3A {strides = array<i32>} : memref<8x128xf32, #tpu.memory_space<vmem>>, vector<1x128xf32>,
        %swap3A_43 = arith.constant 1 : index
        %swap3A_44 = arith.constant 0 : index
        %swap3A_45 = vector.load %arg9[%swap3A_43, %swap3A_44] : memref<8x128xf32, #tpu.memory_space<vmem>>, vector<1x128xf32>
        tpu.vector_store %arg9[%swap3A_43, %swap3A_44], %broadcast_in_dim3A_30 {strides = array<i32>} : memref<8x128xf32, #tpu.memory_space<vmem>>, vector<1x128xf32>,
      } else {
      }
      %gt3A = arith.constant 0 : i32
      %gt3A_36 = arith.cmpi sgt, %arg1, %gt3A : i32
      %convert_element_type3A_37 = arith.extui %gt3A_36 : i1 to i32
      %cond3A_38 = arith.constant 0 : i32
      %cond3A_39 = arith.cmpi ne, %convert_element_type3A_37, %cond3A_38 : i32
      scf.if %cond3A_39 {
        %get3A_40 = arith.constant 0 : index
        %get3A_41 = arith.constant 0 : index
        %get3A_42 = vector.load %arg9[%get3A_40, %get3A_41] : memref<8x128xf32, #tpu.memory_space<vmem>>, vector<1x128xf32>
        %add3A_43 = arith.addf %get3A_42, %broadcast_in_dim3A : vector<1x128xf32>
        %swap3A_44 = arith.constant 0 : index
        %swap3A_45 = arith.constant 0 : index
        %swap3A_46 = vector.load %arg9[%swap3A_44, %swap3A_45] : memref<8x128xf32, #tpu.memory_space<vmem>>, vector<1x128xf32>
        tpu.vector_store %arg9[%swap3A_44, %swap3A_45], %add3A_43 {strides = array<i32>} : memref<8x128xf32, #tpu.memory_space<vmem>>, vector<1x128xf32>,
        %get3A_47 = arith.constant 1 : index
        %get3A_48 = arith.constant 0 : index
        %get3A_49 = vector.load %arg9[%get3A_47, %get3A_48] : memref<8x128xf32, #tpu.memory_space<vmem>>, vector<1x128xf32>
        %add3A_50 = arith.addf %get3A_49, %broadcast_in_dim3A_30 : vector<1x128xf32>
        %swap3A_51 = arith.constant 1 : index
        %swap3A_52 = arith.constant 0 : index
        %swap3A_53 = vector.load %arg9[%swap3A_51, %swap3A_52] : memref<8x128xf32, #tpu.memory_space<vmem>>, vector<1x128xf32>
        tpu.vector_store %arg9[%swap3A_51, %swap3A_52], %add3A_50 {strides = array<i32>} : memref<8x128xf32, #tpu.memory_space<vmem>>, vector<1x128xf32>,
      } else {
      }
    } else {
    }
    %eq3A_2 = arith.constant 1 : i32
    %eq3A_3 = arith.cmpi eq, %arg0, %eq3A_2 : i32
    %convert_element_type3A_4 = arith.extui %eq3A_3 : i1 to i32
    %cond3A_5 = arith.constant 0 : i32
    %cond3A_6 = arith.cmpi ne, %convert_element_type3A_4, %cond3A_5 : i32
    scf.if %cond3A_6 {
      %eq3A_7 = arith.constant 0 : i32
      %eq3A_8 = arith.cmpi eq, %arg1, %eq3A_7 : i32
      %convert_element_type3A_9 = arith.extui %eq3A_8 : i1 to i32
      %cond3A_10 = arith.constant 0 : i32
      %cond3A_11 = arith.cmpi ne, %convert_element_type3A_9, %cond3A_10 : i32
      scf.if %cond3A_11 {
        %get3A_35 = arith.constant 0 : index
        %get3A_36 = arith.constant 0 : index
        %get3A_37 = vector.load %arg9[%get3A_35, %get3A_36] : memref<8x128xf32, #tpu.memory_space<vmem>>, vector<1x128xf32>
        %mul3A_38 = arith.constant 9.99999974E-5 : f32
        %mul3A_39 = vector.broadcast %mul3A_38 : f32 to vector<1x128xf32>
        %mul3A_40 = arith.mulf %get3A_37, %mul3A_39 : vector<1x128xf32>
        %get3A_41 = arith.constant 1 : index
        %get3A_42 = arith.constant 0 : index
        %get3A_43 = vector.load %arg9[%get3A_41, %get3A_42] : memref<8x128xf32, #tpu.memory_space<vmem>>, vector<1x128xf32>
        %mul3A_44 = arith.constant 9.99999974E-5 : f32
        %mul3A_45 = vector.broadcast %mul3A_44 : f32 to vector<1x128xf32>
        %mul3A_46 = arith.mulf %get3A_43, %mul3A_45 : vector<1x128xf32>
        %mul3A_47 = arith.mulf %mul3A_40, %mul3A_40 : vector<1x128xf32>
        %sub3A = arith.subf %mul3A_46, %mul3A_47 : vector<1x128xf32>
        %add3A_48 = arith.constant 9.99999974E-6 : f32
        %add3A_49 = vector.broadcast %add3A_48 : f32 to vector<1x128xf32>
        %add3A_50 = arith.addf %sub3A, %add3A_49 : vector<1x128xf32>
        %rsqrt3A = math.rsqrt %add3A_50 : vector<1x128xf32>
        %get3A_51 = arith.constant 1 : index
        %get3A_52 = arith.constant 0 : index
        %get3A_53 = vector.load %arg6[%get3A_51, %get3A_52] : memref<4x128xf32, #tpu.memory_space<vmem>>, vector<1x128xf32>
        %mul3A_54 = arith.mulf %get3A_53, %rsqrt3A : vector<1x128xf32>
        %swap3A_55 = arith.constant 2 : index
        %swap3A_56 = arith.constant 0 : index
        %swap3A_57 = vector.load %arg9[%swap3A_55, %swap3A_56] : memref<8x128xf32, #tpu.memory_space<vmem>>, vector<1x128xf32>
        tpu.vector_store %arg9[%swap3A_55, %swap3A_56], %mul3A_54 {strides = array<i32>} : memref<8x128xf32, #tpu.memory_space<vmem>>, vector<1x128xf32>,
        %get3A_58 = arith.constant 2 : index
        %get3A_59 = arith.constant 0 : index
        %get3A_60 = vector.load %arg6[%get3A_58, %get3A_59] : memref<4x128xf32, #tpu.memory_space<vmem>>, vector<1x128xf32>
        %mul3A_61 = arith.mulf %mul3A_40, %mul3A_54 : vector<1x128xf32>
        %sub3A_62 = arith.subf %get3A_60, %mul3A_61 : vector<1x128xf32>
        %swap3A_63 = arith.constant 3 : index
        %swap3A_64 = arith.constant 0 : index
        %swap3A_65 = vector.load %arg9[%swap3A_63, %swap3A_64] : memref<8x128xf32, #tpu.memory_space<vmem>>, vector<1x128xf32>
        tpu.vector_store %arg9[%swap3A_63, %swap3A_64], %sub3A_62 {strides = array<i32>} : memref<8x128xf32, #tpu.memory_space<vmem>>, vector<1x128xf32>,
      } else {
      }
      %mul3A = arith.constant 2000 : i32
      %mul3A_12 = arith.muli %arg1, %mul3A : i32
      %get3A = arith.index_cast %mul3A_12 : i32 to index
      %get3A_13 = arith.constant 0 : index
      %get3A_14 = vector.load %arg8[%get3A, %get3A_13] : memref<10000x128xf32, #tpu.memory_space<vmem>>, vector<2000x128xf32>
      %get3A_15 = arith.constant 2 : index
      %get3A_16 = arith.constant 0 : index
      %get3A_17 = vector.load %arg9[%get3A_15, %get3A_16] : memref<8x128xf32, #tpu.memory_space<vmem>>, vector<1x128xf32>
      %mul3A_18 = vector.broadcast %get3A_17 : vector<1x128xf32> to vector<2000x128xf32>
      %mul3A_19 = arith.mulf %get3A_14, %mul3A_18 : vector<2000x128xf32>
      %get3A_20 = arith.constant 3 : index
      %get3A_21 = arith.constant 0 : index
      %get3A_22 = vector.load %arg9[%get3A_20, %get3A_21] : memref<8x128xf32, #tpu.memory_space<vmem>>, vector<1x128xf32>
      %add3A = vector.broadcast %get3A_22 : vector<1x128xf32> to vector<2000x128xf32>
      %add3A_23 = arith.addf %mul3A_19, %add3A : vector<2000x128xf32>
      %get3A_24 = arith.constant 0 : index
      %get3A_25 = arith.constant 0 : index
      %get3A_26 = vector.load %arg5[%get3A_24, %get3A_25] : memref<128x128xf32, #tpu.memory_space<vmem>>, vector<128x128xf32>
      %dot_general3A = arith.constant dense<0.000000e+00> : vector<2000x128xf32>
      %dot_general3A_27 = tpu.matmul %add3A_23, %get3A_26, %dot_general3A {dimension_numbers = #tpu.dot_dimension_numbers<[1], [0], [0], [1], [0, 0, 1, 1], [], []>, transpose_lhs_hint = false} : vector<2000x128xf32>, vector<128x128xf32>, vector<2000x128xf32> -> vector<2000x128xf32>
      %get3A_28 = arith.constant 3 : index
      %get3A_29 = arith.constant 0 : index
      %get3A_30 = vector.load %arg6[%get3A_28, %get3A_29] : memref<4x128xf32, #tpu.memory_space<vmem>>, vector<1x128xf32>
      %add3A_31 = vector.broadcast %get3A_30 : vector<1x128xf32> to vector<2000x128xf32>
      %add3A_32 = arith.addf %dot_general3A_27, %add3A_31 : vector<2000x128xf32>
      %swap3A = arith.constant 0 : index
      %swap3A_33 = arith.constant 0 : index
      %swap3A_34 = vector.load %arg7[%swap3A, %swap3A_33] : memref<2000x128xf32, #tpu.memory_space<vmem>>, vector<2000x128xf32>
      tpu.vector_store %arg7[%swap3A, %swap3A_33], %add3A_32 {strides = array<i32>} : memref<2000x128xf32, #tpu.memory_space<vmem>>, vector<2000x128xf32>,
    } else {
    }
    return
  }
  func.func @transform_0(%arg0: i32, %arg1: i32) -> (i32, i32) {
    %eq3A = arith.constant 0 : i32
    %eq3A_0 = arith.cmpi eq, %arg0, %eq3A : i32
    %jit3A = arith.constant 0 : i32
    %select_n3A = arith.select %eq3A_0, %arg1, %jit3A : i32
    %c0_i32 = arith.constant 0 : i32
    %c0_i32_1 = arith.constant 0 : i32
    return %select_n3A, %c0_i32 : i32, i32
  }
  func.func @transform_1(%arg0: i32, %arg1: i32) -> (i32, i32) {
    %eq3A = arith.constant 0 : i32
    %eq3A_0 = arith.cmpi eq, %arg0, %eq3A : i32
    %jit3A = arith.constant 0 : i32
    %select_n3A = arith.select %eq3A_0, %arg1, %jit3A : i32
    %c0_i32 = arith.constant 0 : i32
    %c0_i32_1 = arith.constant 0 : i32
    return %select_n3A, %c0_i32 : i32, i32
  }
  func.func @transform_2(%arg0: i32, %arg1: i32) -> (i32, i32) {
    %c0_i32 = arith.constant 0 : i32
    %c0_i32_0 = arith.constant 0 : i32
    %c0_i32_1 = arith.constant 0 : i32
    return %c0_i32, %c0_i32_0 : i32, i32
  }
  func.func @transform_3(%arg0: i32, %arg1: i32) -> (i32, i32) {
    %c0_i32 = arith.constant 0 : i32
    %c0_i32_0 = arith.constant 0 : i32
    %c0_i32_1 = arith.constant 0 : i32
    return %c0_i32, %c0_i32_0 : i32, i32
  }
  func.func @transform_4(%arg0: i32, %arg1: i32) -> (i32, i32) {
    %c0_i32 = arith.constant 0 : i32
    %c0_i32_0 = arith.constant 0 : i32
    %c0_i32_1 = arith.constant 0 : i32
    return %c0_i32, %c0_i32_0 : i32, i32
  }
  func.func @transform_5(%arg0: i32, %arg1: i32) -> (i32, i32) {
    %eq3A = arith.constant 0 : i32
    %eq3A_0 = arith.cmpi eq, %arg0, %eq3A : i32
    %jit3A = arith.constant 0 : i32
    %select_n3A = arith.select %eq3A_0, %jit3A, %arg1 : i32
    %c0_i32 = arith.constant 0 : i32
    %c0_i32_1 = arith.constant 0 : i32
    return %select_n3A, %c0_i32 : i32, i32
  }
}

</mosaic_0001>

<sc_bundles>
// kernel: kernel.5.cloned.1.call-start
scs
__scs_entry_jumppad:
0x0: {  	(pc) =	sbr.rel $0x88, $3  }
0x1: {  	(tag) =	ssettag $0x0;
	lr =	simm.s32 $0x1  }
0x2: {  	[smem:$0x3F99] =	sst lr;
	_ =	strace $0xD0000000  }
0x3: {  	_ = 	snop  }
0x4: {  	_ = 	snop  }
0x5: {  	_ = 	snop  }
0x6: {  	_ = 	snop  }
0x7: {  	_ = 	snop  }
__scs_overlays_trampoline_lowered:
0x8: {  	[smem:$0x3FA8] =	sst s0  }
0x9: {  	[smem:$0x3FA9] =	sst s1  }
0xa: {  	[smem:$0x3FAA] =	sst s2  }
0xb: {  	[smem:$0x3FAB] =	sst s3  }
0xc: {  	[smem:$0x3FAC] =	sst s4  }
0xd: {  	[smem:$0x3FAD] =	sst s5  }
0xe: {  	[smem:$0x3FAE] =	sst s6  }
0xf: {  	[smem:$0x3FAF] =	sst s7  }
0x10: {  	[smem:$0x3FB0] =	sst s8  }
0x11: {  	[smem:$0x3FB1] =	sst s9;
	s0 =	simm.s32 @!p0 $0x0  }
0x12: {  	s1 =	sld [smem:$0x3F97];
	s0 =	simm.s32 @p0 $0x1  }
0x13: {  	[smem:$0x3FB2] =	sst s0;
	s0 =	simm.s32 @!p1 $0x0  }
0x14: {  	s2 =	sld [smem:$0x3F96];
	s0 =	simm.s32 @p1 $0x1  }
0x15: {  	[smem:$0x3FB3] =	sst s0;
	s0 =	simm.s32 @!p2 $0x0  }
0x16: {  	s3 =	sld [smem:$0x3FDB];
	s0 =	simm.s32 @p2 $0x1  }
0x17: {  	s4 =	simm.s32 $0x1BF5;
	[smem:$0x3FB5] =	sst s0  }
0x18: {  	s0 =	sld [smem:$0x3F98];
	_ =	swait.ge [sflag:s4], $0x0  }
0x19: {  	s7 =	sld [smem:$0x3F99]  }
0x1a: {  	s8 =	sadd.s32 $0xFFFFE003, lr  }
0x1b: {  	s9 =	sadd.s32 $0xFFFFFEF7, lr;
	s5 =	simm.s32 $0xFFFFFFFF;
	p2 =	slt.u32 s8, $0xFFFFF086  }
0x1c: {  	p1 =	slt.u32 s9, $0xF7A;
	s5 =	simm.s32 @!p2 $0x0  }
0x1d: {  	s5 =	simm.s32 @p1 $0x1;
	p0 =	seq.s32 s7, s2  }
0x1e: {  	s7 =	smul.u32 @!p0 $0xF7A, s2;
	p2 =	seq.s32 @!p0 s5, $0x0  }
0x1f: {  	s9 =	smul.u32 $0xF7A, s1;
	s8 =	simm.s32 @!p0 $0x1BF5;
	p2 =	por !p2, p0  }
0x20: {  	[sflag:s8] =	ssyncset.s32 @!p0 $0xFFFFF086;
	s6 =	sadd.s32 @!p0 s3, s7;
	s7 =	simm.s32 @!p0 $0x108  }
0x21: {  	s3 =	sadd.s32 s3, s9;
	s6 =	sadd.s32 @!p0 $0x88, s6;
	s7 =	simm.s32 @p2 $0x1082  }
0x22: {  	[simem:s7], [sflag:s8] =	dma.local @!p0 [hbm:s6], $0xF7A  }
0x23: {  	s9 =	sor.u32 $0xD0000000, s2;
	s6 =	simm.s32 $0x108;
	_ =	swait.ge @!p0 [sflag:s8], $0x0  }
0x24: {  	s3 =	sadd.s32 $0x88, s3;
	s6 =	simm.s32 @!p1 $0x1082;
	[sflag:s4] =	ssyncset.s32 $0xFFFFF086  }
0x25: {  	[simem:s6], [sflag:s4] =	dma.local [hbm:s3], $0xF7A  }
0x26: {  	[smem:$0x3F99] =	sst s1;
	(tag) =	ssettag s2;
	_ =	strace s9  }
0x27: {  	s1 =	sld [smem:$0x3FA9]  }
0x28: {  	s2 =	sld [smem:$0x3FAA]  }
0x29: {  	s4 =	sld [smem:$0x3FAC]  }
0x2a: {  	p0 =	seq.s32 s5, $0x0;
	s5 =	sld [smem:$0x3FAD]  }
0x2b: {  	s6 =	sld [smem:$0x3FAE]  }
0x2c: {  	s7 =	sld [smem:$0x3FAF]  }
0x2d: {  	s3 =	simm.s32 $0x108;
	s8 =	sld [smem:$0x3FB0]  }
0x2e: {  	s3 =	simm.s32 @!p0 $0x1082;
	s9 =	sld [smem:$0x3FB1]  }
0x2f: {  	lr =	sadd.s32 s0, s3;
	s0 =	sld [smem:$0x3FA8]  }
0x30: {  	s3 =	sld [smem:$0x3FAB]  }
0x31: {  	[smem:$0x3FB4] =	sst s10  }
0x32: {  	s10 =	sld [smem:$0x3FB2];
	_ =	sdelay $0x3  }
0x33: {  	p0 =	seq.s32 s10, $0x1;
	s10 =	sld [smem:$0x3FB4];
	_ =	sdelay $0x3  }
0x34: {  	[smem:$0x3FB4] =	sst s10  }
0x35: {  	s10 =	sld [smem:$0x3FB3];
	_ =	sdelay $0x3  }
0x36: {  	p1 =	seq.s32 s10, $0x1;
	s10 =	sld [smem:$0x3FB4];
	_ =	sdelay $0x3  }
0x37: {  	[smem:$0x3FB4] =	sst s10  }
0x38: {  	s10 =	sld [smem:$0x3FB5]  }
0x39: {  	_ = 	snop;
	(pc) =	sbr.ind lr, $3  }
0x3a: {  	_ = 	snop  }
0x3b: {  	_ = 	snop  }
0x3c: {  	p2 =	seq.s32 s10, $0x1;
	s10 =	sld [smem:$0x3FB4]  }
0x3d: {  	_ =	shalt  }
0x3e: {  	_ =	shalt  }
0x3f: {  	_ =	shalt  }
0x40: {  	_ =	shalt  }
0x41: {  	_ =	shalt  }
0x42: {  	_ =	shalt  }
0x43: {  	_ =	shalt  }
0x44: {  	_ =	shalt  }
0x45: {  	_ =	shalt  }
0x46: {  	_ =	shalt  }
0x47: {  	_ =	shalt  }
0x48: {  	_ =	shalt  }
0x49: {  	_ =	shalt  }
0x4a: {  	_ =	shalt  }
0x4b: {  	_ =	shalt  }
0x4c: {  	_ =	shalt  }
0x4d: {  	_ =	shalt  }
0x4e: {  	_ =	shalt  }
0x4f: {  	_ =	shalt  }
0x50: {  	_ =	shalt  }
0x51: {  	_ =	shalt  }
0x52: {  	_ =	shalt  }
0x53: {  	_ =	shalt  }
0x54: {  	_ =	shalt  }
0x55: {  	_ =	shalt  }
0x56: {  	_ =	shalt  }
0x57: {  	_ =	shalt  }
0x58: {  	_ =	shalt  }
0x59: {  	_ =	shalt  }
0x5a: {  	_ =	shalt  }
0x5b: {  	_ =	shalt  }
0x5c: {  	_ =	shalt  }
0x5d: {  	_ =	shalt  }
0x5e: {  	_ =	shalt  }
0x5f: {  	_ =	shalt  }
0x60: {  	_ =	shalt  }
0x61: {  	_ =	shalt  }
0x62: {  	_ =	shalt  }
0x63: {  	_ =	shalt  }
0x64: {  	_ =	shalt  }
0x65: {  	_ =	shalt  }
0x66: {  	_ =	shalt  }
0x67: {  	_ =	shalt  }
0x68: {  	_ =	shalt  }
0x69: {  	_ =	shalt  }
0x6a: {  	_ =	shalt  }
0x6b: {  	_ =	shalt  }
0x6c: {  	_ =	shalt  }
0x6d: {  	_ =	shalt  }
0x6e: {  	_ =	shalt  }
0x6f: {  	_ =	shalt  }
0x70: {  	_ =	shalt  }
0x71: {  	_ =	shalt  }
0x72: {  	_ =	shalt  }
0x73: {  	_ =	shalt  }
0x74: {  	_ =	shalt  }
0x75: {  	_ =	shalt  }
0x76: {  	_ =	shalt  }
0x77: {  	_ =	shalt  }
0x78: {  	_ =	shalt  }
0x79: {  	_ =	shalt  }
0x7a: {  	_ =	shalt  }
0x7b: {  	_ =	shalt  }
0x7c: {  	_ =	shalt  }
0x7d: {  	_ =	shalt  }
0x7e: {  	_ =	shalt  }
0x7f: {  	_ =	shalt  }
0x80: {  	_ =	shalt  }
0x81: {  	_ =	shalt  }
0x82: {  	_ =	shalt  }
0x83: {  	_ =	shalt  }
0x84: {  	_ =	shalt  }
0x85: {  	_ =	shalt  }
0x86: {  	_ =	shalt  }
0x87: {  	_ =	shalt  }
.Lfunc_end0:
.L_simem_size_0:
called_computation_lowered:
.L_overlay_start_0:
0x88: {  	s2 =	sld [smem:$0x3FD9]  }
0x89: {  	s3 =	sld [smem:$0x3FFE];
	_ =	sdelay $0x1  }
0x8a: {  	s1 =	srdreg.scid  }
0x8b: {  	s0 =	sand.u32 $0x1, s1  }
0x8c: {  	s17 =	sshll.u32 s0, $0xA;
	s2 =	sadd.s32 s3, s2  }
0x8d: {  	s2 =	sadd.s32 s2, s17  }
0x8e: {  	[smem:$0x3FC0] =	sst s2  }
0x8f: {  	_ = 	snop  }
0x90: {  	s2 =	sld [smem:$0x3FC9]  }
0x91: {  	s18 =	sld [smem:$0x3FD0];
	(tm) =	ssettm $0x1  }
0x92: {  	s4 =	sld [smem:$0x3FFB];
	_ =	sdelay $0x3  }
0x93: {  	_ =	strace s4  }
0x94: {  	s4 =	sld [smem:$0x3FFC];
	_ =	sdelay $0x3  }
0x95: {  	_ =	strace s4  }
0x96: {  	s4 =	sld [smem:$0x3FFD];
	_ =	sdelay $0x3  }
0x97: {  	_ =	strace s4  }
0x98: {  	_ =	strace $0x8FFFFFFF  }
0x99: {  	s19 =	sld [smem:$0x3FDB];
	_ =	sdelay $0x1  }
0x9a: {  	s5 =	simm.s32 $_scs_section_size  }
0x9b: {  	s6 =	simm.s32 $_size__tile_overlayer_lowered;
	s7 =	simm.s32 $_tile_overlayer_lowered  }
0x9c: {  	s22 =	simm.s32 $0x1BFF;
	s21 =	sshll.u32 s7, $0x1;
	s4 =	sadd.s32 s5, s19  }
0x9d: {  	s8 =	simm.s32 $0x0;
	s20 =	sshll.u32 s6, $0x1;
	s6 =	sadd.s32 s21, s4  }
0x9e: {  	[timem:s8], [sflag:s22] =	dma.local [hbm:s6], s20  }
0x9f: {  	_ =	swait.ge [sflag:s22], s20  }
0xa0: {  	s5 =	ssub.s32 $0x0, s20;
	[sflag:s22] =	ssyncset.done $0x0  }
0xa1: {  	[sflag:s22] =	ssyncadd.s32 s5;
	_ =	sdelay $0x1  }
0xa2: {  	s23 =	simm.s32 $0x1B8B  }
0xa3: {  	_ =	swait.ge [sflag:s23], $0x1  }
0xa4: {  	[sflag:s23] =	ssyncset.done $0x0  }
0xa5: {  	s25 =	simm.s32 $0x1B8E;
	s24 =	sld [smem:$0x3FFE];
	[sflag:s23] =	ssyncadd.s32 $0xFFFFFFFF  }
0xa6: {  	s26 =	simm.s32 $execute0_lowered;
	[smem:$0x3FD2] =	sst s25  }
0xa7: {  	s6 =	sshll.u32 s26, $0x1;
	_ =	strace $0x80000046;
	[dreg:$0x1] =	wrdreg $0xFFFFFFFF  }
0xa8: {  	s28 =	simm.s32 $_size_execute0_lowered;
	s4 =	sadd.s32 s4, s6;
	[dreg:$0x0] =	wrdreg $0x0  }
0xa9: {  	s6 =	sshll.u32 s28, $0x1;
	[dreg:$0x2] =	wrdreg s4  }
0xaa: {  	[dreg:$0x3] =	wrdreg s6  }
0xab: {  	[dreg:$0x4] =	wrdreg $0xC0  }
0xac: {  	_ =	task [dreg:s8], $0x5FFFF  }
0xad: {  	[dreg:$0x1] =	wrdreg $0xFFFFFFFF  }
0xae: {  	[dreg:$0x0] =	wrdreg $0x60  }
0xaf: {  	[dreg:$0x2] =	wrdreg s24  }
0xb0: {  	[dreg:$0x3] =	wrdreg s2  }
0xb1: {  	[dreg:$0x4] =	wrdreg s18  }
0xb2: {  	[dreg:$0x5] =	wrdreg $0xC3000  }
0xb3: {  	[dreg:$0x6] =	wrdreg $0x9  }
0xb4: {  	_ =	task.clear_ibuf [dreg:s8], $0x7FFFF;
	_ =	strace $0x90000046  }
0xb5: {  	s29 =	simm.s32 $0x9;
	_ =	strace $0x80000048  }
0xb6: {  	_ =	swait.ge [sflag:s29], $0x1  }
0xb7: {  	[sflag:s29] =	ssyncadd.s32 $0xFFFFFFFF  }
0xb8: {  	_ =	strace $0x90000048  }
0xb9: {  	_ =	sfence  }
0xba: {  	s30 =	sld [smem:$0x0];
	_ =	sdelay $0x2  }
0xbb: {  	s31 =	sshll.u32 s1, $0xD;
	s1 =	sshrl.u32 s1, $0x2  }
0xbc: {  	s3 =	sand.u32 $0x4000, s31;
	s1 =	sadd.s32 s1, s30  }
0xbd: {  	s0 =	sor.u32 s3, s0;
	s1 =	sshll.u32 s1, $0x11  }
0xbe: {  	s0 =	sor.u32 s1, s0  }
0xbf: {  	s0 =	sadd.s32 $0x8F2B, s0  }
0xc0: {  	[sflag:s0] =	ssyncadd.remote.s32 $0x1  }
0xc1: {  	_ =	sfence.sel $0xFFFF  }
0xc2: {  	[dreg:$0x0] =	wrdreg $0xFFFFFFFF;
	(pc) =	sbr.abs _section_cstart, $3  }
0xc3: {  	[dreg:$0x1] =	wrdreg $0xFFFFFFFF  }
0xc4: {  	_ =	task.clear_ibuf [dreg:s8], $0x2FFFF;
	_ =	strace $0x9FFFFFFF  }
0xc5: {  	(tm) =	ssettm $0x7FFFFFFF  }
tec
execute0_lowered:
.L_overlay_start_1:
0x0: {  	(tag) =	ssettag $0x1  }
0x1: {  	s2 =	rddreg [dreg:$0x0]  }
0x2: {  	s1 =	rddreg [dreg:$0x1]  }
0x3: {  	s19 =	rddreg [dreg:$0x2]  }
0x4: {  	s3 =	rddreg [dreg:$0x3];
	s4 =	simm.s32 $0x0;
	s0 =	srdreg.scid  }
0x5: {  	s5 =	stileid.u32;
	s28 =	simm.s32 $0x100;
	s29 =	simm.s32 $0x280  }
0x6: {  	s30 =	simm.s32 $0x1;
	s31 =	simm.s32 $0x300;
	[smem:$0x7FF] =	sst s4  }
0x7: {  	s0 =	sand.u32 $0x1, s0;
	s9 =	sadd.s32 $0x2000, s2;
	s8 =	smul.u32 $0x4F000, s5  }
0x8: {  	s10 =	sadd.s32 $0xBE00, s2;
	s20 =	sadd.s32 $0x15C00, s2;
	s11 =	smul.u32 $0x278, s5  }
0x9: {  	p0 =	sne.s32 s5, $0xF;
	s14 =	smul.u32 $0x4E, s5;
	p1 =	seq.s32 s5, $0xF  }
0xa: {  	_ =	strace $0x80000047;
	s6 =	ssub.s32 $0x2, s0;
	s21 =	sshll.u32 s0, $0x4  }
0xb: {  	s22 =	smul.u32 $0x4E0, s0;
	s13 =	simm.s32 @!p0 $0x0;
	p4 =	sne.s32 s0, $0x0  }
0xc: {  	[dreg:$0xb] =	wrdreg s20;
	s7 =	sshrl.u32 s6, $0x1;
	s8 =	sshrl.u32 s8, $0x2  }
0xd: {  	s12 =	sor.u32 s5, s21;
	s13 =	simm.s32 @p0 $0x1;
	s23 =	sadd.s32 $0x80, s11  }
0xe: {  	s2 =	ssub.s32 s6, s7;
	s6 =	smul.u32 $0x2780, s5;
	s7 =	sadd.s32 s8, s3  }
0xf: {  	[smem:$0x7F1] =	sst s13;
	s24 =	sshll.u32 s23, $0x7;
	s16 =	smul.u32 $0x4E, s12  }
0x10: {  	s17 =	smin.u32 s12, $0x4;
	s14 =	sadd.s32 s14, s22;
	s13 =	sshll.u32 s23, $0x4  }
0x11: {  	p0 =	slt.u32 s12, $0x4;
	p2 =	sgt.u32 s12, $0x3;
	s14 =	sadd.s32 s17, s14  }
0x12: {  	s13 =	sadd.s32 s1, s13;
	s15 =	sadd.s32 s1, s6;
	s25 =	sadd.s32 s17, s16  }
0x13: {  	[dreg:$0xd] =	wrdreg s13;
	s16 =	sshll.u32 s14, $0x4;
	s14 =	sshll.u32 s25, $0x4  }
0x14: {  	s8 =	sadd.s32 s24, s3;
	[dreg:$0xc] =	wrdreg s15;
	s18 =	sadd.s32 s9, s14  }
0x15: {  	s26 =	sadd.s32 $0x50, s16;
	s21 =	sadd.s32 s10, s14;
	[dreg:$0xe] =	wrdreg s18  }
0x16: {  	s17 =	sadd.s32 $0x100, s11;
	s22 =	sadd.s32 s26, s9;
	[dreg:$0xf] =	wrdreg s21  }
0x17: {  	s23 =	sadd.s32 $0x40, s16;
	s13 =	sadd.s32 s26, s10;
	[dreg:$0x5] =	wrdreg s22  }
0x18: {  	s24 =	sadd.s32 s23, s9;
	s15 =	sadd.s32 s23, s10;
	[dreg:$0x6] =	wrdreg s13  }
0x19: {  	s23 =	sshll.u32 s17, $0x7;
	s17 =	sshll.u32 s17, $0x4;
	[dreg:$0x7] =	wrdreg s24  }
0x1a: {  	s18 =	sadd.s32 $0x10, s14;
	s14 =	sadd.s32 $0x20, s14;
	[dreg:$0x8] =	wrdreg s15  }
0x1b: {  	s24 =	sadd.s32 $0x180, s11;
	s11 =	sadd.s32 $0x200, s11;
	s15 =	sadd.s32 $0x4000, s7  }
0x1c: {  	s25 =	sadd.s32 s9, s18;
	s26 =	sadd.s32 s10, s18;
	[smem:$0x7F4] =	sst s15  }
0x1d: {  	s21 =	sadd.s32 s9, s14;
	s22 =	sadd.s32 s10, s14;
	[dreg:$0x10] =	wrdreg s25  }
0x1e: {  	s9 =	sadd.s32 s16, s9;
	s10 =	sadd.s32 s16, s10;
	[dreg:$0x11] =	wrdreg s26  }
0x1f: {  	s16 =	sadd.s32 s23, s3;
	s13 =	sshll.u32 s11, $0x4;
	[dreg:$0x12] =	wrdreg s21  }
0x20: {  	s14 =	sadd.s32 s20, s6;
	s6 =	sadd.s32 s19, s6;
	[dreg:$0x13] =	wrdreg s22  }
0x21: {  	s18 =	sadd.s32 $0xC000, s7;
	s19 =	sadd.s32 $0x10000, s7;
	[dreg:$0x17] =	wrdreg s14  }
0x22: {  	s20 =	sadd.s32 $0x25080, s1;
	s23 =	sadd.s32 $0x26080, s1;
	[dreg:$0x18] =	wrdreg s6  }
0x23: {  	s9 =	sadd.s32 $0x30, s9;
	s10 =	sadd.s32 $0x30, s10;
	[smem:$0x7F6] =	sst s18  }
0x24: {  	s25 =	sshll.u32 s24, $0x7;
	s26 =	sadd.s32 s1, s17;
	[smem:$0x7F7] =	sst s19  }
0x25: {  	s22 =	smax.u32 s2, $0x1;
	s2 =	sadd.s32 $0x12C400, s3;
	[smem:$0x7F8] =	sst s20  }
0x26: {  	s17 =	simm.s32 $0x4F;
	s6 =	sadd.s32 $0x130400, s3;
	[smem:$0x7FA] =	sst s23  }
0x27: {  	s21 =	sadd.s32 $0x25880, s1;
	s18 =	simm.s32 $0x7;
	[dreg:$0x9] =	wrdreg s9  }
0x28: {  	s19 =	simm.s32 $0x5;
	s20 =	simm.s32 $0x6;
	[dreg:$0xa] =	wrdreg s10  }
0x29: {  	[dreg:$0x14] =	wrdreg s26;
	s10 =	sadd.s32 s25, s3;
	s9 =	sshll.u32 s24, $0x4  }
0x2a: {  	s17 =	simm.s32 @!p0 $0x4E;
	s2 =	sshrl.u32 @p1 s2, $0x3;
	[smem:$0x7F9] =	sst s21  }
0x2b: {  	p0 =	seq.s32 s0, $0x0;
	s6 =	sshrl.u32 @p1 s6, $0x3;
	[dreg:$0x19] =	wrdreg s2  }
0x2c: {  	s24 =	sadd.s32 $0x26880, s1;
	s25 =	sadd.s32 $0x27080, s1;
	[dreg:$0x1a] =	wrdreg s6  }
0x2d: {  	s26 =	sadd.s32 $0x138800, s3;
	s12 =	simm.s32 @!p0 $0x0;
	[smem:$0x7FB] =	sst s24  }
0x2e: {  	s9 =	sadd.s32 s1, s9;
	s2 =	sadd.s32 $0x134400, s3;
	[smem:$0x7FC] =	sst s25  }
0x2f: {  	s6 =	sadd.s32 $0x128400, s3;
	[smem:$0x7FD] =	sst s26;
	s24 =	simm.s32 $0x180  }
0x30: {  	s25 =	simm.s32 $0x80;
	s12 =	simm.s32 @p0 $0x1;
	[dreg:$0x15] =	wrdreg s9  }
0x31: {  	s26 =	simm.s32 $0x200;
	s9 =	sadd.s32 s1, s13;
	[smem:$0x7F2] =	sst s12  }
0x32: {  	s2 =	sshrl.u32 @p1 s2, $0x3;
	[dreg:$0x16] =	wrdreg s9;
	s9 =	sadd.s32 $0x138400, s3  }
0x33: {  	s12 =	sshll.u32 s11, $0x7;
	[dreg:$0x1b] =	wrdreg s2;
	s2 =	sshrl.u32 @p1 s9, $0x3  }
0x34: {  	s0 =	sadd.s32 s12, s3;
	[dreg:$0x1c] =	wrdreg s2;
	s2 =	sshrl.u32 @!p1 s8, $0x3  }
.Ltmp0:
0x35: {  	s0 =	sshrl.u32 @!p1 s0, $0x3;
	[dreg:$0x1d] =	wrdreg s2;
	(pc) =	sbr.rel .LBB2_1-.Ltmp0, $4  }
0x36: {  	s9 =	simm.s32 $0x8300;
	s2 =	sshrl.u32 @!p1 s16, $0x3;
	[smem:$0x7F3] =	sst s0  }
0x37: {  	s8 =	simm.s32 $0x3;
	s16 =	sadd.s32 $0x8000, s7;
	[dreg:$0x1e] =	wrdreg s2  }
0x38: {  	s0 =	simm.s32 $0x2;
	s2 =	sshrl.u32 @!p1 s10, $0x3;
	[smem:$0x7F5] =	sst s16  }
0x39: {  	v0 =	vimm.f32 $0.0e+00;
	s16 =	simm.s32 $0x4;
	[dreg:$0x1f] =	wrdreg s2;
	s2 =	simm.s32 $0x4300  }
.LBB2_11:
0x3a: {  	s11 =	sshll.u32 s5, $0x6  }
0x3b: {  	s10 =	sadd.s32 $0x25080, s10;
	s12 =	sshrl.u32 s6, $0x3;
	s11 =	sor.u32 $0x1C07, s11  }
0x3c: {  	[hbm:s10], [sflag:s11] =	dma.local [spmem:s12], $0x2080  }
0x3d: {  	_ =	swait.ge [sflag:s18], $0x2080  }
0x3e: {  	[sflag:s18] =	ssyncset.done $0x0  }
0x3f: {  	[sflag:s18] =	ssyncadd.s32 $0xFFFFDF80  }
.LBB2_12:
0x40: {  	s4 =	sadd.s32 $0x1, s4  }
0x41: {  	p0 =	sne.s32 s4, s22  }
.Ltmp1:
0x42: {  	_ = 	snop;
	(pc) =	sbr.rel @!p0 .LBB2_13-.Ltmp1, $1  }
0x43: {  	_ =	sdelay $0x3  }
.LBB2_1:
0x44: {  	s10 =	simm.s32 $0x0;
	s21 =	simm.s32 $0x200  }
.LBB2_2:
0x45: {  	p0 =	sne.s32 s21, $0xFE00;
	[tilespmem:s10+$0x370] =	vst v0  }
0x46: {  	[tilespmem:s10+$0x300] =	vst v0  }
0x47: {  	[tilespmem:s10+$0x310] =	vst v0  }
.Ltmp2:
0x48: {  	[tilespmem:s10+$0x320] =	vst v0;
	(pc) =	sbr.rel @p0 .LBB2_2-.Ltmp2, $4  }
0x49: {  	[tilespmem:s10+$0x330] =	vst v0  }
0x4a: {  	[tilespmem:s10+$0x340] =	vst v0  }
0x4b: {  	[tilespmem:s10+$0x350] =	vst v0  }
0x4c: {  	[tilespmem:s10+$0x360] =	vst v0;
	s10 =	sshra.s32 s21, $0x2;
	s21 =	sadd.s32 $0x200, s21  }
0x4d: {  	s23 =	sld [smem:$0x7F2]  }
0x4e: {  	[tilespmem:s10+$0x370] =	vst v0  }
0x4f: {  	[tilespmem:s10+$0x300] =	vst v0  }
0x50: {  	[tilespmem:s10+$0x310] =	vst v0;
	p0 =	seq.s32 s23, $0x1  }
.Ltmp3:
0x51: {  	[tilespmem:s10+$0x320] =	vst v0;
	(pc) =	sbr.rel @!p0 .LBB2_4-.Ltmp3, $4  }
0x52: {  	[tilespmem:s10+$0x330] =	vst v0  }
0x53: {  	[tilespmem:s10+$0x340] =	vst v0  }
0x54: {  	[tilespmem:s10+$0x350] =	vst v0  }
0x55: {  	[tilespmem:s10+$0x360] =	vst v0  }
0x56: {  	s12 =	sld [smem:$0x7F8];
	_ =	sdelay $0x1  }
0x57: {  	s10 =	sshrl.u32 @p1 s6, $0x3;
	s11 =	simm.s32 @p1 $0x1FC7  }
0x58: {  	[spmem:s10], [sflag:s11] =	dma.local @p1 [hbm:s12], $0x800  }
0x59: {  	s10 =	simm.s32 @p1 $0x7  }
0x5a: {  	_ =	swait.ge @p1 [sflag:s10], $0x800  }
0x5b: {  	s13 =	sld [smem:$0x7F9]  }
0x5c: {  	[sflag:s10] =	ssyncset.done @p1 $0x0  }
0x5d: {  	s12 =	rddreg [dreg:$0x19];
	[sflag:s10] =	ssyncadd.s32 @p1 $0xFFFFF800  }
0x5e: {  	[spmem:s12], [sflag:s11] =	dma.local @p1 [hbm:s13], $0x800  }
0x5f: {  	_ =	swait.ge @p1 [sflag:s10], $0x800  }
0x60: {  	s13 =	sld [smem:$0x7FA]  }
0x61: {  	[sflag:s10] =	ssyncset.done @p1 $0x0  }
0x62: {  	s12 =	rddreg [dreg:$0x1a];
	[sflag:s10] =	ssyncadd.s32 @p1 $0xFFFFF800  }
0x63: {  	[spmem:s12], [sflag:s11] =	dma.local @p1 [hbm:s13], $0x800  }
0x64: {  	_ =	swait.ge @p1 [sflag:s10], $0x800  }
0x65: {  	s13 =	sld [smem:$0x7FB]  }
0x66: {  	[sflag:s10] =	ssyncset.done @p1 $0x0  }
0x67: {  	s12 =	rddreg [dreg:$0x1b];
	[sflag:s10] =	ssyncadd.s32 @p1 $0xFFFFF800  }
0x68: {  	[spmem:s12], [sflag:s11] =	dma.local @p1 [hbm:s13], $0x800  }
0x69: {  	_ =	swait.ge @p1 [sflag:s10], $0x800  }
0x6a: {  	s13 =	sld [smem:$0x7FC]  }
0x6b: {  	[sflag:s10] =	ssyncset.done @p1 $0x0  }
0x6c: {  	s12 =	rddreg [dreg:$0x1c];
	[sflag:s10] =	ssyncadd.s32 @p1 $0xFFFFF800  }
0x6d: {  	[spmem:s12], [sflag:s11] =	dma.local @p1 [hbm:s13], $0x80  }
0x6e: {  	_ =	swait.ge @p1 [sflag:s10], $0x80  }
0x6f: {  	s12 =	sld [smem:$0x7FD]  }
0x70: {  	[sflag:s10] =	ssyncset.done @p1 $0x0  }
0x71: {  	s11 =	simm.s32 @p1 $0x300;
	[sflag:s10] =	ssyncadd.s32 @p1 $0xFFFFFF80  }
0x72: {  	[spmem:s12] =	stream.linear.scatter @p1 [tilespmem:s11], [sflag:$0x7], $0x3800, $0x38;
	[tilespmem:$0x1FF00] =	vst v63  }
0x73: {  	_ =	swait.ge @p1 [sflag:s10], $0x3800  }
0x74: {  	s11 =	sshll.u32 @!p1 s5, $0x6;
	[sflag:s10] =	ssyncset.done @p1 $0x0;
	s12 =	rddreg [dreg:$0xc]  }
0x75: {  	[sflag:s10] =	ssyncadd.s32 @p1 $0xFFFFC800;
	s10 =	sor.u32 @!p1 $0x1C07, s11;
	s11 =	sshrl.u32 @!p1 s7, $0x3  }
0x76: {  	[spmem:s11], [sflag:s10] =	dma.local @!p1 [hbm:s12], $0x800  }
0x77: {  	s11 =	simm.s32 @!p1 $0x7  }
0x78: {  	_ =	swait.ge @!p1 [sflag:s11], $0x800  }
0x79: {  	[sflag:s11] =	ssyncset.done @!p1 $0x0;
	s12 =	rddreg [dreg:$0xd]  }
0x7a: {  	s13 =	rddreg [dreg:$0x1d];
	[sflag:s11] =	ssyncadd.s32 @!p1 $0xFFFFF800  }
0x7b: {  	[spmem:s13], [sflag:s10] =	dma.local @!p1 [hbm:s12], $0x800  }
0x7c: {  	_ =	swait.ge @!p1 [sflag:s11], $0x800  }
0x7d: {  	[sflag:s11] =	ssyncset.done @!p1 $0x0;
	s12 =	rddreg [dreg:$0x14]  }
0x7e: {  	s13 =	rddreg [dreg:$0x1e];
	[sflag:s11] =	ssyncadd.s32 @!p1 $0xFFFFF800  }
0x7f: {  	[spmem:s13], [sflag:s10] =	dma.local @!p1 [hbm:s12], $0x800  }
0x80: {  	_ =	swait.ge @!p1 [sflag:s11], $0x800  }
0x81: {  	[sflag:s11] =	ssyncset.done @!p1 $0x0;
	s12 =	rddreg [dreg:$0x15]  }
0x82: {  	s13 =	rddreg [dreg:$0x1f];
	[sflag:s11] =	ssyncadd.s32 @!p1 $0xFFFFF800  }
0x83: {  	[spmem:s13], [sflag:s10] =	dma.local @!p1 [hbm:s12], $0x800  }
0x84: {  	_ =	swait.ge @!p1 [sflag:s11], $0x800  }
0x85: {  	s13 =	sld [smem:$0x7F3]  }
0x86: {  	[sflag:s11] =	ssyncset.done @!p1 $0x0  }
.Ltmp4:
0x87: {  	s12 =	rddreg [dreg:$0x16];
	[sflag:s11] =	ssyncadd.s32 @!p1 $0xFFFFF800;
	(pc) =	sbr.rel .LBB2_6-.Ltmp4, $4  }
0x88: {  	[spmem:s13], [sflag:s10] =	dma.local @!p1 [hbm:s12], $0x780  }
0x89: {  	p6 =	por @p1 $0x0, $0x0;
	p5 =	por @p1 $0x1, $0x1;
	_ =	swait.ge @!p1 [sflag:s11], $0x780  }
0x8a: {  	p0 =	por @!p1 $0x1, $0x1;
	p3 =	por @!p1 $0x0, $0x0;
	[sflag:s11] =	ssyncset.done @!p1 $0x0  }
0x8b: {  	p5 =	por @!p1 p3, p3;
	p6 =	por @!p1 p0, p0;
	[sflag:s11] =	ssyncadd.s32 @!p1 $0xFFFFF880  }
.LBB2_4:
0x8c: {  	[spmem:s7] =	stream.linear.scatter [tilespmem:s31], [sflag:$0x7], $0x4000, $0x38;
	[tilespmem:$0x1FF00] =	vst v63  }
0x8d: {  	_ =	swait.ge [sflag:s18], $0x4000  }
0x8e: {  	s10 =	sld [smem:$0x7F4]  }
0x8f: {  	[sflag:s18] =	ssyncset.done $0x0  }
0x90: {  	[sflag:s18] =	ssyncadd.s32 $0xFFFFC000  }
0x91: {  	[spmem:s10] =	stream.linear.scatter [tilespmem:s31], [sflag:$0x7], $0x4000, $0x38;
	[tilespmem:$0x1FF00] =	vst v63  }
0x92: {  	_ =	swait.ge [sflag:s18], $0x4000  }
0x93: {  	s14 =	sld [smem:$0x7F5]  }
0x94: {  	[sflag:s18] =	ssyncset.done $0x0  }
0x95: {  	[sflag:s18] =	ssyncadd.s32 $0xFFFFC000  }
0x96: {  	[spmem:s14] =	stream.linear.scatter [tilespmem:s31], [sflag:$0x7], $0x4000, $0x38;
	[tilespmem:$0x1FF00] =	vst v63  }
0x97: {  	_ =	swait.ge [sflag:s18], $0x4000  }
0x98: {  	s15 =	sld [smem:$0x7F6]  }
0x99: {  	[sflag:s18] =	ssyncset.done $0x0  }
0x9a: {  	[sflag:s18] =	ssyncadd.s32 $0xFFFFC000  }
0x9b: {  	[spmem:s15] =	stream.linear.scatter [tilespmem:s31], [sflag:$0x7], $0x4000, $0x38;
	[tilespmem:$0x1FF00] =	vst v63  }
0x9c: {  	_ =	swait.ge [sflag:s18], $0x4000  }
0x9d: {  	s21 =	sld [smem:$0x7F7]  }
0x9e: {  	[sflag:s18] =	ssyncset.done $0x0  }
0x9f: {  	[sflag:s18] =	ssyncadd.s32 $0xFFFFC000  }
0xa0: {  	[spmem:s21] =	stream.linear.scatter [tilespmem:s31], [sflag:$0x7], $0x3C00, $0x38;
	[tilespmem:$0x1FF00] =	vst v63  }
0xa1: {  	_ =	swait.ge [sflag:s18], $0x3C00  }
0xa2: {  	s23 =	sld [smem:$0x7F1];
	_ =	sdelay $0x1  }
0xa3: {  	[sflag:s18] =	ssyncset.done $0x0  }
0xa4: {  	p5 =	por p1, p1;
	[sflag:s18] =	ssyncadd.s32 $0xFFFFC400;
	p6 =	seq.s32 s23, $0x1  }
.LBB2_6:
0xa5: {  	[bflag:$0x0] =	sbarrier.arrive $0xFFFF  }
0xa6: {  	s21 =	simm.s32 $0x0;
	s10 =	rddreg [dreg:$0xe]  }
0xa7: {  	[tilespmem:s21], [sflag:$0x1] =	stream.linear.gather [hbm4b:s10+s21], $0x80, $0x38;
	[tilespmem:$0x1FF00] =	vst v63  }
0xa8: {  	s12 =	rddreg [dreg:$0xf]  }
0xa9: {  	[tilespmem:s24], [sflag:$0x1] =	stream.linear.gather [hbm4b:s12+s21], $0x80, $0x38;
	[tilespmem:$0x1FF00] =	vst v63  }
0xaa: {  	s13 =	rddreg [dreg:$0x10]  }
0xab: {  	[tilespmem:s25], [sflag:$0x2] =	stream.linear.gather [hbm4b:s13+s21], $0x80, $0x38;
	[tilespmem:$0x1FF00] =	vst v63  }
0xac: {  	s14 =	rddreg [dreg:$0x11]  }
0xad: {  	[tilespmem:s26], [sflag:$0x2] =	stream.linear.gather [hbm4b:s14+s21], $0x80, $0x38;
	[tilespmem:$0x1FF00] =	vst v63  }
0xae: {  	s15 =	rddreg [dreg:$0x12]  }
0xaf: {  	[tilespmem:s28], [sflag:$0x3] =	stream.linear.gather [hbm4b:s15+s21], $0x80, $0x38;
	[tilespmem:$0x1FF00] =	vst v63  }
0xb0: {  	s23 =	rddreg [dreg:$0x13]  }
0xb1: {  	[tilespmem:s29], [sflag:$0x3] =	stream.linear.gather [hbm4b:s23+s21], $0x80, $0x38;
	[tilespmem:$0x1FF00] =	vst v63  }
0xb2: {  	_ =	swait.ge [sflag:s30], $0x80  }
0xb3: {  	[sflag:s30] =	ssyncset.done $0x0  }
0xb4: {  	[sflag:s30] =	ssyncadd.s32 $0xFFFFFF80  }
0xb5: {  	_ =	swait.ge [sflag:s30], $0x80  }
0xb6: {  	[sflag:s30] =	ssyncset.done $0x0  }
0xb7: {  	[sflag:s30] =	ssyncadd.s32 $0xFFFFFF80  }
0xb8: {  	[tilespmem:s31], [sflag:$0x4] =	stream.indirect.gather [hbm4b:s1+s25], $0x80, s21, s25, $0xb8;
	[tilespmem:$0x1FF00] =	vst v63  }
0xb9: {  	_ =	swait.ge [sflag:s0], $0x80  }
0xba: {  	[sflag:s0] =	ssyncset.done $0x0  }
0xbb: {  	[sflag:s0] =	ssyncadd.s32 $0xFFFFFF80  }
0xbc: {  	_ =	swait.ge [sflag:s0], $0x80  }
0xbd: {  	[sflag:s0] =	ssyncset.done $0x0  }
0xbe: {  	[sflag:s0] =	ssyncadd.s32 $0xFFFFFF80  }
0xbf: {  	[tilespmem:s2], [sflag:$0x5] =	stream.indirect.gather [hbm4b:s1+s25], $0x80, s25, s25, $0xb8;
	[tilespmem:$0x1FF00] =	vst v63  }
0xc0: {  	_ =	swait.ge [sflag:s8], $0x80  }
0xc1: {  	[sflag:s8] =	ssyncset.done $0x0  }
0xc2: {  	[sflag:s8] =	ssyncadd.s32 $0xFFFFFF80  }
0xc3: {  	_ =	swait.ge [sflag:s8], $0x80  }
0xc4: {  	[sflag:s8] =	ssyncset.done $0x0  }
0xc5: {  	[sflag:s8] =	ssyncadd.s32 $0xFFFFFF80  }
0xc6: {  	[tilespmem:s9], [sflag:$0x6] =	stream.indirect.gather [hbm4b:s1+s25], $0x80, s28, s25, $0xb8;
	[tilespmem:$0x1FF00] =	vst v63  }
0xc7: {  	_ =	swait.ge [sflag:s16], $0x4000  }
0xc8: {  	[sflag:s16] =	ssyncset.done $0x0  }
0xc9: {  	[sflag:s16] =	ssyncadd.s32 $0xFFFFC000  }
0xca: {  	[spmem:s3] =	stream.indirect.scatter.add.f32 [tilespmem:s31], [sflag:$0x7], $0x80, s24, s25, $0xb8;
	[tilespmem:$0x1FF00] =	vst v63  }
0xcb: {  	p0 =	sle.u32 s17, $0x3;
	_ =	swait.ge [sflag:s18], $0x4000  }
0xcc: {  	s12 =	simm.s32 @!p0 $0x0;
	s10 =	rddreg [dreg:$0x9];
	[sflag:s18] =	ssyncset.done $0x0  }
0xcd: {  	s11 =	rddreg [dreg:$0xa];
	[sflag:s18] =	ssyncadd.s32 $0xFFFFC000;
	s10 =	sadd.s32 @!p0 $0x0, s10  }
0xce: {  	[tilespmem:s12], [sflag:$0x1] =	stream.linear.gather @!p0 [hbm4b:s10+s12], $0x80, $0x38;
	[tilespmem:$0x1FF00] =	vst v63  }
0xcf: {  	s23 =	simm.s32 @!p0 $0x1;
	s10 =	sadd.s32 @!p0 $0x0, s11;
	s11 =	simm.s32 @!p0 $0x180  }
0xd0: {  	[tilespmem:s11], [sflag:$0x1] =	stream.linear.gather @!p0 [hbm4b:s10+s12], $0x80, $0x38;
	[tilespmem:$0x1FF00] =	vst v63  }
0xd1: {  	_ =	swait.ge @!p0 [sflag:s23], $0x80  }
0xd2: {  	[sflag:s23] =	ssyncset.done @!p0 $0x0  }
0xd3: {  	[sflag:s23] =	ssyncadd.s32 @!p0 $0xFFFFFF80  }
0xd4: {  	_ =	swait.ge @!p0 [sflag:s23], $0x80  }
0xd5: {  	[sflag:s23] =	ssyncset.done @!p0 $0x0  }
0xd6: {  	s10 =	simm.s32 @!p0 $0x80;
	s11 =	simm.s32 @!p0 $0x300;
	[sflag:s23] =	ssyncadd.s32 @!p0 $0xFFFFFF80  }
0xd7: {  	[tilespmem:s11], [sflag:$0x4] =	stream.indirect.gather @!p0 [hbm4b:s1+s10], $0x80, s12, s10, $0xb8;
	[tilespmem:$0x1FF00] =	vst v63  }
0xd8: {  	_ =	swait.ge [sflag:s19], $0x4000  }
0xd9: {  	[sflag:s19] =	ssyncset.done $0x0  }
0xda: {  	p0 =	sle.u32 s17, $0x4;
	[sflag:s19] =	ssyncadd.s32 $0xFFFFC000  }
0xdb: {  	[spmem:s3] =	stream.indirect.scatter.add.f32 [tilespmem:s2], [sflag:$0x7], $0x80, s26, s25, $0xb8;
	[tilespmem:$0x1FF00] =	vst v63  }
0xdc: {  	s12 =	simm.s32 @!p0 $0x0;
	_ =	swait.ge [sflag:s18], $0x4000  }
0xdd: {  	s23 =	simm.s32 @!p0 $0x80;
	s10 =	rddreg [dreg:$0x7];
	[sflag:s18] =	ssyncset.done $0x0  }
0xde: {  	s11 =	rddreg [dreg:$0x8];
	[sflag:s18] =	ssyncadd.s32 $0xFFFFC000;
	s10 =	sadd.s32 @!p0 $0x0, s10  }
0xdf: {  	[tilespmem:s23], [sflag:$0x2] =	stream.linear.gather @!p0 [hbm4b:s10+s12], $0x80, $0x38;
	[tilespmem:$0x1FF00] =	vst v63  }
0xe0: {  	s11 =	sadd.s32 @!p0 $0x0, s11;
	s10 =	simm.s32 @!p0 $0x200  }
0xe1: {  	[tilespmem:s10], [sflag:$0x2] =	stream.linear.gather @!p0 [hbm4b:s11+s12], $0x80, $0x38;
	[tilespmem:$0x1FF00] =	vst v63  }
0xe2: {  	s10 =	simm.s32 @!p0 $0x2  }
0xe3: {  	_ =	swait.ge @!p0 [sflag:s10], $0x80  }
0xe4: {  	[sflag:s10] =	ssyncset.done @!p0 $0x0  }
0xe5: {  	[sflag:s10] =	ssyncadd.s32 @!p0 $0xFFFFFF80  }
0xe6: {  	_ =	swait.ge @!p0 [sflag:s10], $0x80  }
0xe7: {  	[sflag:s10] =	ssyncset.done @!p0 $0x0  }
0xe8: {  	s11 =	simm.s32 @!p0 $0x4300;
	[sflag:s10] =	ssyncadd.s32 @!p0 $0xFFFFFF80  }
0xe9: {  	[tilespmem:s11], [sflag:$0x5] =	stream.indirect.gather @!p0 [hbm4b:s1+s23], $0x80, s23, s23, $0xb8;
	[tilespmem:$0x1FF00] =	vst v63  }
0xea: {  	_ =	swait.ge [sflag:s20], $0x4000  }
0xeb: {  	[sflag:s20] =	ssyncset.done $0x0  }
0xec: {  	[sflag:s20] =	ssyncadd.s32 $0xFFFFC000  }
0xed: {  	[spmem:s3] =	stream.indirect.scatter.add.f32 [tilespmem:s9], [sflag:$0x7], $0x80, s29, s25, $0xb8;
	[tilespmem:$0x1FF00] =	vst v63  }
0xee: {  	p3 =	sle.u32 s17, $0x5;
	_ =	swait.ge [sflag:s18], $0x4000  }
0xef: {  	s12 =	simm.s32 @!p3 $0x100;
	s10 =	rddreg [dreg:$0x5];
	[sflag:s18] =	ssyncset.done $0x0  }
0xf0: {  	s11 =	simm.s32 @!p3 $0x0;
	[sflag:s18] =	ssyncadd.s32 $0xFFFFC000;
	s10 =	sadd.s32 @!p3 $0x0, s10  }
0xf1: {  	[tilespmem:s12], [sflag:$0x3] =	stream.linear.gather @!p3 [hbm4b:s10+s11], $0x80, $0x38;
	[tilespmem:$0x1FF00] =	vst v63  }
0xf2: {  	s23 =	simm.s32 $0x30;
	s12 =	rddreg [dreg:$0x6];
	s10 =	simm.s32 $0x8  }
.LBB2_7:
0xf3: {  	s12 =	sadd.s32 @!p3 s21, s12;
	s13 =	simm.s32 @!p3 $0x280  }
0xf4: {  	[tilespmem:s13], [sflag:$0x3] =	stream.linear.gather @!p3 [hbm4b:s12+s11], $0x80, $0x38;
	[tilespmem:$0x1FF00] =	vst v63  }
0xf5: {  	_ =	swait.ge [sflag:s8], $0x80  }
0xf6: {  	[sflag:s8] =	ssyncset.done $0x0  }
0xf7: {  	[sflag:s8] =	ssyncadd.s32 $0xFFFFFF80  }
0xf8: {  	_ =	swait.ge [sflag:s8], $0x80  }
0xf9: {  	[sflag:s8] =	ssyncset.done $0x0  }
0xfa: {  	[sflag:s8] =	ssyncadd.s32 $0xFFFFFF80  }
0xfb: {  	[tilespmem:s9], [sflag:$0x6] =	stream.indirect.gather [hbm4b:s1+s25], $0x80, s28, s25, $0xb8;
	[tilespmem:$0x1FF00] =	vst v63  }
0xfc: {  	_ =	swait.ge [sflag:s16], $0x4000  }
0xfd: {  	[sflag:s16] =	ssyncset.done $0x0  }
0xfe: {  	s14 =	sadd.s32 $0xFFFFFFFE, s10;
	[sflag:s16] =	ssyncadd.s32 $0xFFFFC000  }
0xff: {  	[spmem:s3] =	stream.indirect.scatter.add.f32 [tilespmem:s31], [sflag:$0x7], $0x80, s24, s25, $0xb8;
	[tilespmem:$0x1FF00] =	vst v63  }
0x100: {  	s21 =	smov.u32 s23;
	p3 =	sge.u32 s14, s17;
	_ =	swait.ge [sflag:s18], $0x4000  }
0x101: {  	s13 =	simm.s32 @!p3 $0x0;
	s12 =	rddreg [dreg:$0x9];
	[sflag:s18] =	ssyncset.done $0x0  }
0x102: {  	s11 =	rddreg [dreg:$0xa];
	[sflag:s18] =	ssyncadd.s32 $0xFFFFC000;
	s12 =	sadd.s32 @!p3 s21, s12  }
0x103: {  	[tilespmem:s13], [sflag:$0x1] =	stream.linear.gather @!p3 [hbm4b:s12+s13], $0x80, $0x38;
	[tilespmem:$0x1FF00] =	vst v63  }
0x104: {  	s14 =	simm.s32 @!p3 $0x1;
	s11 =	sadd.s32 @!p3 s21, s11;
	s12 =	simm.s32 @!p3 $0x180  }
0x105: {  	[tilespmem:s12], [sflag:$0x1] =	stream.linear.gather @!p3 [hbm4b:s11+s13], $0x80, $0x38;
	[tilespmem:$0x1FF00] =	vst v63  }
0x106: {  	_ =	swait.ge @!p3 [sflag:s14], $0x80  }
0x107: {  	[sflag:s14] =	ssyncset.done @!p3 $0x0  }
0x108: {  	[sflag:s14] =	ssyncadd.s32 @!p3 $0xFFFFFF80  }
0x109: {  	_ =	swait.ge @!p3 [sflag:s14], $0x80  }
0x10a: {  	[sflag:s14] =	ssyncset.done @!p3 $0x0  }
0x10b: {  	s11 =	simm.s32 @!p3 $0x80;
	s12 =	simm.s32 @!p3 $0x300;
	[sflag:s14] =	ssyncadd.s32 @!p3 $0xFFFFFF80  }
0x10c: {  	[tilespmem:s12], [sflag:$0x4] =	stream.indirect.gather @!p3 [hbm4b:s1+s11], $0x80, s13, s11, $0xb8;
	[tilespmem:$0x1FF00] =	vst v63  }
0x10d: {  	_ =	swait.ge [sflag:s19], $0x4000  }
0x10e: {  	s15 =	sadd.s32 $0xFFFFFFFF, s10;
	[sflag:s19] =	ssyncset.done $0x0  }
0x10f: {  	p3 =	sge.u32 s15, s17;
	[sflag:s19] =	ssyncadd.s32 $0xFFFFC000  }
0x110: {  	[spmem:s3] =	stream.indirect.scatter.add.f32 [tilespmem:s2], [sflag:$0x7], $0x80, s26, s25, $0xb8;
	[tilespmem:$0x1FF00] =	vst v63  }
0x111: {  	s13 =	simm.s32 @!p3 $0x0;
	_ =	swait.ge [sflag:s18], $0x4000  }
0x112: {  	s14 =	simm.s32 @!p3 $0x80;
	s12 =	rddreg [dreg:$0x7];
	[sflag:s18] =	ssyncset.done $0x0  }
0x113: {  	s11 =	rddreg [dreg:$0x8];
	[sflag:s18] =	ssyncadd.s32 $0xFFFFC000;
	s12 =	sadd.s32 @!p3 s21, s12  }
0x114: {  	[tilespmem:s14], [sflag:$0x2] =	stream.linear.gather @!p3 [hbm4b:s12+s13], $0x80, $0x38;
	[tilespmem:$0x1FF00] =	vst v63  }
0x115: {  	s15 =	simm.s32 @!p3 $0x200;
	s11 =	sadd.s32 @!p3 s21, s11;
	s12 =	simm.s32 @!p3 $0x2  }
0x116: {  	[tilespmem:s15], [sflag:$0x2] =	stream.linear.gather @!p3 [hbm4b:s11+s13], $0x80, $0x38;
	[tilespmem:$0x1FF00] =	vst v63  }
0x117: {  	_ =	swait.ge @!p3 [sflag:s12], $0x80  }
0x118: {  	[sflag:s12] =	ssyncset.done @!p3 $0x0  }
0x119: {  	[sflag:s12] =	ssyncadd.s32 @!p3 $0xFFFFFF80  }
0x11a: {  	_ =	swait.ge @!p3 [sflag:s12], $0x80  }
0x11b: {  	[sflag:s12] =	ssyncset.done @!p3 $0x0  }
0x11c: {  	s11 =	simm.s32 @!p3 $0x4300;
	[sflag:s12] =	ssyncadd.s32 @!p3 $0xFFFFFF80  }
0x11d: {  	[tilespmem:s11], [sflag:$0x5] =	stream.indirect.gather @!p3 [hbm4b:s1+s14], $0x80, s14, s14, $0xb8;
	[tilespmem:$0x1FF00] =	vst v63  }
0x11e: {  	_ =	swait.ge [sflag:s20], $0x4000  }
0x11f: {  	s23 =	sadd.s32 $0x30, s23;
	[sflag:s20] =	ssyncset.done $0x0  }
0x120: {  	p0 =	sne.s32 s23, $0x4E0;
	[sflag:s20] =	ssyncadd.s32 $0xFFFFC000  }
0x121: {  	[spmem:s3] =	stream.indirect.scatter.add.f32 [tilespmem:s9], [sflag:$0x7], $0x80, s29, s25, $0xb8;
	[tilespmem:$0x1FF00] =	vst v63  }
.Ltmp5:
0x122: {  	_ =	swait.ge [sflag:s18], $0x4000;
	(pc) =	sbr.rel @p0 .LBB2_7-.Ltmp5, $4  }
0x123: {  	p3 =	sge.u32 s10, s17;
	s10 =	sadd.s32 $0x3, s10;
	s11 =	rddreg [dreg:$0x5]  }
0x124: {  	s14 =	simm.s32 @!p3 $0x100;
	[sflag:s18] =	ssyncset.done $0x0;
	s12 =	rddreg [dreg:$0x6]  }
0x125: {  	[sflag:s18] =	ssyncadd.s32 $0xFFFFC000;
	s13 =	sadd.s32 @!p3 s21, s11;
	s11 =	simm.s32 @!p3 $0x0  }
0x126: {  	[tilespmem:s14], [sflag:$0x3] =	stream.linear.gather @!p3 [hbm4b:s13+s11], $0x80, $0x38;
	[tilespmem:$0x1FF00] =	vst v63  }
0x127: {  	s10 =	sadd.s32 @!p3 s21, s12;
	s12 =	simm.s32 @!p3 $0x280  }
0x128: {  	[tilespmem:s12], [sflag:$0x3] =	stream.linear.gather @!p3 [hbm4b:s10+s11], $0x80, $0x38;
	[tilespmem:$0x1FF00] =	vst v63  }
0x129: {  	s10 =	simm.s32 @!p2 $0x4  }
0x12a: {  	_ =	swait.ge @!p2 [sflag:s10], $0x4000  }
0x12b: {  	s11 =	simm.s32 @!p2 $0x180;
	[sflag:s10] =	ssyncset.done @!p2 $0x0  }
0x12c: {  	s12 =	simm.s32 @!p2 $0x300;
	[sflag:s10] =	ssyncadd.s32 @!p2 $0xFFFFC000;
	s10 =	simm.s32 @!p2 $0x80  }
0x12d: {  	[spmem:s3] =	stream.indirect.scatter.add.f32 @!p2 [tilespmem:s12], [sflag:$0x7], $0x80, s11, s10, $0xb8;
	[tilespmem:$0x1FF00] =	vst v63  }
0x12e: {  	s10 =	simm.s32 @!p2 $0x7  }
.Ltmp6:
0x12f: {  	_ =	swait.ge @!p2 [sflag:s10], $0x4000;
	(pc) =	sbr.rel @p4 .LBB2_10-.Ltmp6, $4  }
0x130: {  	[sflag:s10] =	ssyncset.done @!p2 $0x0  }
0x131: {  	[sflag:s10] =	ssyncadd.s32 @!p2 $0xFFFFC000  }
0x132: {  	s11 =	sshll.u32 @p6 s5, $0x6;
	[bflag:$0x0] =	sbarrier.arrive $0xFFFF  }
0x133: {  	s11 =	sor.u32 @p6 $0x1C07, s11;
	s10 =	sshrl.u32 @p6 s7, $0x3  }
0x134: {  	s12 =	rddreg [dreg:$0x18]  }
0x135: {  	[hbm:s12], [sflag:s11] =	dma.local @p6 [spmem:s10], $0x2780  }
.Ltmp7:
0x136: {  	s10 =	simm.s32 @p6 $0x7;
	(pc) =	sbr.rel @p5 .LBB2_11-.Ltmp7, $4  }
.Ltmp8:
0x137: {  	_ =	swait.ge @p6 [sflag:s10], $0x2780;
	(pc) =	sbr.rel @!p5 .LBB2_12-.Ltmp8, $4  }
0x138: {  	[sflag:s10] =	ssyncset.done @p6 $0x0  }
0x139: {  	[sflag:s10] =	ssyncadd.s32 @p6 $0xFFFFD880  }
0x13a: {  	s10 =	rddreg [dreg:$0x2]  }
0x13b: {  	_ = 	snop  }
.LBB2_10:
0x13c: {  	s12 =	rddreg [dreg:$0x17]  }
0x13d: {  	[hbm:s12], [sflag:s11] =	dma.local @p6 [spmem:s10], $0x2780  }
.Ltmp9:
0x13e: {  	_ = 	snop;
	(pc) =	sbr.rel @!p5 .LBB2_12-.Ltmp9, $4  }
.Ltmp10:
0x13f: {  	s10 =	simm.s32 @p6 $0x7;
	(pc) =	sbr.rel @p5 .LBB2_11-.Ltmp10, $4  }
0x140: {  	_ =	swait.ge @p6 [sflag:s10], $0x2780  }
0x141: {  	[sflag:s10] =	ssyncset.done @p6 $0x0  }
0x142: {  	[sflag:s10] =	ssyncadd.s32 @p6 $0xFFFFD880;
	s10 =	rddreg [dreg:$0xb]  }
0x143: {  	_ = 	snop  }
.LBB2_13:
0x144: {  	_ =	sfence.sel $0x180000  }
0x145: {  	[bflag:$0x0] =	sbarrier.arrive $0xFFFF  }
0x146: {  	_ =	strace $0x90000047  }
0x147: {  	[bflag:$0x2] =	sbarrier.arrive $0xFFFF  }
0x148: {  	p0 =	sne.s32 s5, $0x0;
	s0 =	rddreg [dreg:$0x4]  }
0x149: {  	s0 =	sadd.s32 @!p0 $0x100000, s0  }
0x14a: {  	[sflag:s0] =	ssyncadd.tile.s32 @!p0 $0x1;
	_ =	shalt  }
.Lfunc_end2:
_tile_overlayer_lowered:
.L_overlay_start_2:
0x14b: {  	(tag) =	ssettag $0x2  }
0x14c: {  	s0 =	rddreg [dreg:$0x0];
	s2 =	stileid.u32  }
0x14d: {  	s1 =	rddreg [dreg:$0x1];
	p0 =	sne.s32 s2, $0x0  }
0x14e: {  	s3 =	rddreg [dreg:$0x2];
	[bflag:$0x3] =	sbarrier.arrive $0xFFFF;
	s2 =	simm.s32 @!p0 $0x1C07  }
0x14f: {  	[timem:s3], [sflag:s2] =	dma.local @!p0 [hbm:s0], s1  }
0x150: {  	s0 =	simm.s32 @!p0 $0x7  }
0x151: {  	_ =	swait.ge @!p0 [sflag:s0], s1  }
0x152: {  	s1 =	ssub.s32 @!p0 $0x0, s1;
	[sflag:s0] =	ssyncset.done @!p0 $0x0  }
0x153: {  	[sflag:s0] =	ssyncadd.s32 @!p0 s1  }
0x154: {  	[bflag:$0x3] =	sbarrier.arrive $0xFFFF  }
0x155: {  	_ =	shalt  }

</sc_bundles>
